<compile_context>
chip_gen: v7x
topology: tpu7x:2x2x1
jax: 0.10.2.dev20260603
libtpu: 0.0.44.dev20260713+nightly
codegen_flags: <defaults>
</compile_context>

<pallas_src>
import functools

import jax
import jax.numpy as jnp
from jax import lax
from jax.experimental import pallas as pl
from jax.experimental.pallas import tpu as pltpu
from jax.experimental.pallas import tpu_sc as plsc

B = 2
NPER = 2048
NQ = 6912
R2 = (0.64, 2.56)
NS = (16, 32)
DPAD = 128
EPS = 1e-5
IMAX = 0x7FFFFFFF
LOWMASK = 2047

NW = 32
GCH = 384


def _select_body(qt_ref, xr_ref, outA_ref, outB_ref, key_ref, m_ref, *, qt):
    b = pl.program_id(0)
    acc = jnp.zeros((NPER, qt), jnp.float32)
    for dim in range(3):
        qd = qt_ref[0, dim, :][None, :]
        xd = xr_ref[0, :, dim][:, None]
        diff = xd - qd
        acc = acc + diff * diff
    iota = jax.lax.broadcasted_iota(jnp.int32, (NPER, qt), 0)
    keys = jax.lax.bitcast_convert_type(acc, jnp.int32)
    keys = jnp.bitwise_and(keys, jnp.int32(~LOWMASK))
    keys = jnp.bitwise_or(keys, iota)
    key_ref[...] = keys

    far = jnp.float32(1e6) + acc
    m2 = jnp.min(far, axis=0)
    am2 = jnp.min(jnp.where(far == m2[None, :], iota, jnp.int32(NPER)), axis=0)
    fill0 = am2[None, :] + b * NPER

    def body(k, _):
        kcur = key_ref[...]
        m = jnp.min(kcur, axis=0)
        key_ref[...] = jnp.where(kcur == m[None, :], jnp.int32(IMAX), kcur)
        m_ref[pl.ds(k, 1), :] = m[None, :]
        return 0

    jax.lax.fori_loop(0, 32, body, 0, unroll=2)

    M = m_ref[...]
    gidx = jnp.bitwise_and(M, jnp.int32(LOWMASK)) + b * NPER
    d2t = jax.lax.bitcast_convert_type(jnp.bitwise_and(M, jnp.int32(~LOWMASK)),
                                       jnp.float32)
    vA = d2t[:NS[0]] <= R2[0]
    fillA = jnp.where(vA[0:1], gidx[0:1], fill0)
    outA_ref[0] = jnp.where(vA, gidx[:NS[0]], fillA)
    vB = d2t[:NS[1]] <= R2[1]
    fillB = jnp.where(vB[0:1], gidx[0:1], fill0)
    outB_ref[0] = jnp.where(vB, gidx[:NS[1]], fillB)


def _select(q_t, x_r, qt=128):
    nsteps = NQ // qt
    kfn = pl.pallas_call(
        functools.partial(_select_body, qt=qt),
        grid=(B, nsteps),
        in_specs=[
            pl.BlockSpec((1, 3, qt), lambda b, i: (b, 0, i)),
            pl.BlockSpec((1, NPER, 3), lambda b, i: (b, 0, 0)),
        ],
        out_specs=[
            pl.BlockSpec((1, NS[0], qt), lambda b, i: (b, 0, i)),
            pl.BlockSpec((1, NS[1], qt), lambda b, i: (b, 0, i)),
        ],
        out_shape=[
            jax.ShapeDtypeStruct((B, NS[0], NQ), jnp.int32),
            jax.ShapeDtypeStruct((B, NS[1], NQ), jnp.int32),
        ],
        scratch_shapes=[
            pltpu.VMEM((NPER, qt), jnp.int32),
            pltpu.VMEM((32, qt), jnp.int32),
        ],
    )
    return kfn(q_t, x_r)


def _sc_gather(table, idx2d, nrows):
    b_per_w = nrows // NW
    nch = b_per_w // GCH
    blk_per_w = b_per_w // 128
    mesh = plsc.VectorSubcoreMesh(core_axis_name="c", subcore_axis_name="s")

    @functools.partial(
        pl.kernel, mesh=mesh,
        out_type=jax.ShapeDtypeStruct((nrows, DPAD), jnp.float32),
        scratch_types=[
            pltpu.VMEM((blk_per_w, 128), jnp.int32),
            pltpu.VMEM((GCH, DPAD), jnp.float32),
            pltpu.SemaphoreType.DMA,
        ],
    )
    def k(table_hbm, idx_hbm, out_hbm, idx_v, rows_v, sem):
        wid = lax.axis_index("s") * 2 + lax.axis_index("c")
        pltpu.sync_copy(idx_hbm.at[wid], idx_v)

        def body(i, _):
            cps = [
                pltpu.async_copy(table_hbm.at[idx_v.at[i * 3 + j]],
                                 rows_v.at[pl.ds(j * 128, 128)], sem)
                for j in range(3)
            ]
            for cp in cps:
                cp.wait()
            pltpu.sync_copy(
                rows_v, out_hbm.at[pl.ds((wid * blk_per_w + i * 3) * 128, GCH)])
            return 0

        lax.fori_loop(0, nch, body, 0)

    return k(table, idx2d)


def _stats1_body(g_ref, q_ref, w1_ref, out_ref, *, qt, ns, d1):
    i = pl.program_id(0)
    G = g_ref[...]
    W = w1_ref[...]
    y = jnp.dot(G, W, preferred_element_type=jnp.float32)
    y = y.reshape(qt, ns, d1)
    qw = jnp.dot(q_ref[...], W[0:3, :], preferred_element_type=jnp.float32)
    y = y - qw[:, None, :]
    s = jnp.sum(y, axis=(0, 1))
    ss = jnp.sum(y * y, axis=(0, 1))

    @pl.when(i == 0)
    def _():
        out_ref[...] = jnp.zeros_like(out_ref)

    out_ref[0, :] += s
    out_ref[1, :] += ss


def _layer1(g_ref, q_ref, w1_ref, a1_ref, b1_ref, qt, ns, d1):
    G = g_ref[...]
    W = w1_ref[...]
    y = jnp.dot(G, W, preferred_element_type=jnp.float32)
    y = y.reshape(qt, ns, d1)
    qw = jnp.dot(q_ref[...], W[0:3, :], preferred_element_type=jnp.float32)
    y = y - qw[:, None, :]
    return jnp.maximum(y * a1_ref[0][None, None, :] + b1_ref[0][None, None, :],
                       0.0)


def _stats2_body(g_ref, q_ref, w1_ref, a1_ref, b1_ref, w2_ref, out_ref, *,
                 qt, ns, d1):
    i = pl.program_id(0)
    a1 = _layer1(g_ref, q_ref, w1_ref, a1_ref, b1_ref, qt, ns, d1)
    y2 = jnp.dot(a1.reshape(qt * ns, d1), w2_ref[...],
                 preferred_element_type=jnp.float32)
    s = jnp.sum(y2, axis=0)
    ss = jnp.sum(y2 * y2, axis=0)

    @pl.when(i == 0)
    def _():
        out_ref[...] = jnp.zeros_like(out_ref)

    out_ref[0, :] += s
    out_ref[1, :] += ss


def _final_body(g_ref, q_ref, w1_ref, a1_ref, b1_ref, w2_ref, a2_ref, b2_ref,
                out_ref, *, qt, ns, d1):
    a1 = _layer1(g_ref, q_ref, w1_ref, a1_ref, b1_ref, qt, ns, d1)
    y2 = jnp.dot(a1.reshape(qt * ns, d1), w2_ref[...],
                 preferred_element_type=jnp.float32)
    a2 = jnp.maximum(y2 * a2_ref[0][None, :] + b2_ref[0][None, :], 0.0)
    out_ref[...] = jnp.max(a2.reshape(qt, ns, 64), axis=1)


def _mlp_scale(G, q_flat, W1p, g1, b1, W2, g2, b2, ns, d1, qt=128):
    n = G.shape[0]
    nq = n // ns
    grid = (nq // qt,)
    g_spec = pl.BlockSpec((qt * ns, DPAD), lambda i: (i, 0))
    q_spec = pl.BlockSpec((qt, 3), lambda i: (i, 0))
    w1_spec = pl.BlockSpec((DPAD, d1), lambda i: (0, 0))
    vec1 = pl.BlockSpec((1, d1), lambda i: (0, 0))
    w2_spec = pl.BlockSpec((d1, 64), lambda i: (0, 0))
    vec2 = pl.BlockSpec((1, 64), lambda i: (0, 0))

    st1 = pl.pallas_call(
        functools.partial(_stats1_body, qt=qt, ns=ns, d1=d1),
        grid=grid,
        in_specs=[g_spec, q_spec, w1_spec],
        out_specs=pl.BlockSpec((2, d1), lambda i: (0, 0)),
        out_shape=jax.ShapeDtypeStruct((2, d1), jnp.float32),
    )(G, q_flat, W1p)
    mu1 = st1[0] / n
    var1 = st1[1] / n - mu1 * mu1
    al1 = (g1 / jnp.sqrt(var1 + EPS))[None, :]
    be1 = (b1 - mu1 * al1[0])[None, :]

    st2 = pl.pallas_call(
        functools.partial(_stats2_body, qt=qt, ns=ns, d1=d1),
        grid=grid,
        in_specs=[g_spec, q_spec, w1_spec, vec1, vec1, w2_spec],
        out_specs=pl.BlockSpec((2, 64), lambda i: (0, 0)),
        out_shape=jax.ShapeDtypeStruct((2, 64), jnp.float32),
    )(G, q_flat, W1p, al1, be1, W2)
    mu2 = st2[0] / n
    var2 = st2[1] / n - mu2 * mu2
    al2 = (g2 / jnp.sqrt(var2 + EPS))[None, :]
    be2 = (b2 - mu2 * al2[0])[None, :]

    out = pl.pallas_call(
        functools.partial(_final_body, qt=qt, ns=ns, d1=d1),
        grid=grid,
        in_specs=[g_spec, q_spec, w1_spec, vec1, vec1, w2_spec, vec2, vec2],
        out_specs=pl.BlockSpec((qt, 64), lambda i: (i, 0)),
        out_shape=jax.ShapeDtypeStruct((nq, 64), jnp.float32),
    )(G, q_flat, W1p, al1, be1, W2, al2, be2)
    return out


def kernel(xyz, xyz_batch_cnt, new_xyz, rois, features,
           W0_0, g0_0, b0_0, W0_1, g0_1, b0_1,
           W1_0, g1_0, b1_0, W1_1, g1_1, b1_1):
    x_r = xyz.reshape(B, NPER, 3)
    q_flat = new_xyz.reshape(B * NQ, 3)
    q_t = new_xyz.reshape(B, NQ, 3).transpose(0, 2, 1)

    idxA3, idxB3 = _select(q_t, x_r)
    idxA = idxA3.transpose(0, 2, 1).reshape(NW, -1, 128)
    idxB = idxB3.transpose(0, 2, 1).reshape(NW, -1, 128)

    table = jnp.concatenate(
        [xyz, features, jnp.zeros((B * NPER, DPAD - 35), jnp.float32)], axis=1)

    GA = _sc_gather(table, idxA, B * NQ * NS[0])
    idxB, GA = jax.lax.optimization_barrier((idxB, GA))
    GB = _sc_gather(table, idxB, B * NQ * NS[1])

    W0p = jnp.concatenate(
        [W0_0, jnp.zeros((DPAD - 35, W0_0.shape[1]), jnp.float32)], axis=0)
    W1p = jnp.concatenate(
        [W1_0, jnp.zeros((DPAD - 35, W1_0.shape[1]), jnp.float32)], axis=0)

    outA = _mlp_scale(GA, q_flat, W0p, g0_0, b0_0, W0_1, g0_1, b0_1, NS[0], 32)
    outB = _mlp_scale(GB, q_flat, W1p, g1_0, b1_0, W1_1, g1_1, b1_1, NS[1], 64)
    return jnp.concatenate([outA, outB], axis=1)

# --- scband reference (transcript-rebuilt; emitter-appended) ---
"""Pipeline reference for scband-stack-samodule-msg-51015621542391 (READ-ONLY COPY).

The authoritative reference and input builder live on the scoring server;
editing this copy changes nothing except your own understanding.
"""

import jax, jax.numpy as jnp
import numpy as np

B = 2
NPER = 2048
M = 32
GRID = 216
C = 32
RADII = (0.8, 1.6)
NSAMPLES = (16, 32)
# use_xyz=True adds 3 to the first mlp dim (mlp_spec[0] += 3 in __init__)
MLP_DIMS = ((35, 32, 64), (35, 64, 64))


def setup_inputs(seed: int = 0):
    key = jax.random.key(seed)
    ks = jax.random.split(key, 16)
    xyz = jax.random.uniform(ks[0], (B * NPER, 3), dtype=jnp.float32) * 10.0
    xyz_batch_cnt = jnp.full((B,), NPER, dtype=jnp.int32)
    new_xyz = jax.random.uniform(ks[1], (B, M, GRID, 3), dtype=jnp.float32) * 10.0
    rois = jax.random.uniform(ks[2], (B, M, 8), dtype=jnp.float32)
    features = jax.random.normal(ks[3], (B * NPER, C), dtype=jnp.float32)
    out = {"xyz": xyz, "xyz_batch_cnt": xyz_batch_cnt, "new_xyz": new_xyz, "rois": rois, "features": features}
    i = 4
    for s, dims in enumerate(MLP_DIMS):
        for k in range(len(dims) - 1):
            out["W%d_%d" % (s, k)] = jax.random.normal(ks[i], (dims[k], dims[k + 1]), dtype=jnp.float32) * (2.0 / dims[k]) ** 0.5
            out["g%d_%d" % (s, k)] = jnp.ones((dims[k + 1],), jnp.float32)
            out["b%d_%d" % (s, k)] = jnp.zeros((dims[k + 1],), jnp.float32)
            i += 1
    return out


def _ball_group(xyz_b, feat_b, q_b, radius, nsample):
    # xyz_b: (B, N, 3), feat_b: (B, N, C), q_b: (B, Q, 3)
    d2 = jnp.sum((q_b[:, :, None, :] - xyz_b[:, None, :, :]) ** 2, axis=-1)  # (B, Q, N)
    within = d2 <= radius * radius
    # points inside the ball rank first (nearest-first); outside points pushed below -1e6
    score = jnp.where(within, -d2, -1e6 - d2)
    vals, idx = jax.lax.top_k(score, nsample)  # (B, Q, ns)
    valid = vals > -1e6
    # ball_query semantics: slots past the valid count replicate the first found neighbor
    idx = jnp.where(valid, idx, idx[..., 0:1])
    gx = jax.vmap(lambda p, i: p[i])(xyz_b, idx)  # gather -> (B, Q, ns, 3)
    gf = jax.vmap(lambda p, i: p[i])(feat_b, idx)  # gather -> (B, Q, ns, C)
    rel = gx - q_b[:, :, None, :]
    return jnp.concatenate([rel, gf], axis=-1)  # (B, Q, ns, 3 + C)


def _mlp_bn_relu(x, Ws, gs, bs):
    for W, g, b in zip(Ws, gs, bs):
        x = x @ W  # Linear(bias=False)
        mu = jnp.mean(x, axis=0)
        var = jnp.var(x, axis=0)  # biased var, matches BatchNorm1d training normalization
        x = (x - mu) / jnp.sqrt(var + 1e-5) * g + b
        x = jax.nn.relu(x)
    return x


def reference(xyz, xyz_batch_cnt, new_xyz, rois, features,
              W0_0, g0_0, b0_0, W0_1, g0_1, b0_1,
              W1_0, g1_0, b1_0, W1_1, g1_1, b1_1):
    bsz = xyz_batch_cnt.shape[0]
    nper = xyz.shape[0] // bsz  # equal batch counts (xyz_batch_cnt = [NPER]*B)
    xyz_b = xyz.reshape(bsz, nper, 3)
    feat_b = features.reshape(bsz, nper, -1)
    q_b = new_xyz.reshape(bsz, -1, 3)
    out_size = bsz * q_b.shape[1]
    scale_params = [((W0_0, W0_1), (g0_0, g0_1), (b0_0, b0_1)),
                    ((W1_0, W1_1), (g1_0, g1_1), (b1_0, b1_1))]
    outs = []
    for s in range(2):
        grouped = _ball_group(xyz_b, feat_b, q_b, RADII[s], NSAMPLES[s])
        flat = grouped.reshape(-1, grouped.shape[-1])  # (out_size * ns, 3 + C), group_new_idx = repeat(arange(out_size), ns)
        h = _mlp_bn_relu(flat, *scale_params[s])
        # _scatter_max over group_new_idx; uniform segment sizes -> reshape + max (== segment_max)
        pooled = h.reshape(out_size, NSAMPLES[s], h.shape[-1]).max(axis=1)
        outs.append(pooled)
    return jnp.concatenate(outs, axis=1)  # (M1 + M2 + ..., sum_k mlps[k][-1]) = (13824, 128)

if __name__ == "__main__":
    import jax
    _d = setup_inputs()
    print(jax.jit(kernel)(*tuple(_d.values())))

</pallas_src>

<mosaic_0001>
#map = affine_map<(d0, d1) -> (0, 0)>
#map1 = affine_map<(d0, d1) -> (0, 0, 0)>
module attributes {stable_mosaic.version = 14 : i64} {
  func.func @k(%arg0: i32, %arg1: i32, %arg2: memref<4096x128xf32, #tpu.memory_space<hbm>>, %arg3: memref<32x54x128xi32, #tpu.memory_space<hbm>>, %arg4: memref<221184x128xf32, #tpu.memory_space<hbm>>, %arg5: memref<54x128xi32, #tpu.memory_space<vmem>>, %arg6: memref<384x128xf32, #tpu.memory_space<vmem>>, %arg7: memref<!tpu.dma_semaphore, #tpu.memory_space<semaphore_mem>>) attributes {dimension_semantics = [#tpu.dimension_semantics<core_parallel>, #tpu.dimension_semantics<subcore_parallel>], iteration_bounds = array<i64: 2, 16>, scalar_prefetch = 0 : i64, scratch_operands = 3 : i64, tpu.core_type = #tpu.core_type<sc_vector_subcore>, window_params = [{transform_indices = #map}, {transform_indices = #map1}, {transform_indices = #map}]} {
    %mul3A = arith.constant 2 : i32
    %mul3A_0 = arith.muli %arg1, %mul3A : i32
    %add3A = arith.addi %mul3A_0, %arg0 : i32
    "tpu.region"() ({
      %run_scoped3A = tpu.sem_alloc : memref<!tpu.dma_semaphore, #tpu.memory_space<semaphore_mem>>
      %dma_start3A = arith.constant 0 : i32
      %dma_start3A_7 = arith.constant 0 : i32
      %dma_start3A_8 = tpu.memref_slice %arg3[%add3A, %dma_start3A, %dma_start3A_7] : memref<32x54x128xi32, #tpu.memory_space<hbm>> -> memref<1x54x128xi32, #tpu.memory_space<hbm>>
      %dma_start3A_9 = tpu.memref_squeeze %dma_start3A_8 : memref<1x54x128xi32, #tpu.memory_space<hbm>> -> memref<54x128xi32, #tpu.memory_space<hbm>>
      %dma_start3A_10 = arith.constant 0 : i32
      %dma_start3A_11 = arith.constant 0 : i32
      %dma_start3A_12 = tpu.memref_slice %arg3[%add3A, %dma_start3A_10, %dma_start3A_11] : memref<32x54x128xi32, #tpu.memory_space<hbm>> -> memref<1x54x128xi32, #tpu.memory_space<hbm>>
      %dma_start3A_13 = tpu.memref_squeeze %dma_start3A_12 : memref<1x54x128xi32, #tpu.memory_space<hbm>> -> memref<54x128xi32, #tpu.memory_space<hbm>>
      tpu.enqueue_dma source(%dma_start3A_13 : memref<54x128xi32, #tpu.memory_space<hbm>>) target(%arg5 : memref<54x128xi32, #tpu.memory_space<vmem>>) target_semaphore(%run_scoped3A : memref<!tpu.dma_semaphore, #tpu.memory_space<semaphore_mem>>)
      %dma_wait3A = arith.constant 0 : i32
      %dma_wait3A_14 = arith.constant 0 : i32
      %dma_wait3A_15 = tpu.memref_slice %arg3[%add3A, %dma_wait3A, %dma_wait3A_14] : memref<32x54x128xi32, #tpu.memory_space<hbm>> -> memref<1x54x128xi32, #tpu.memory_space<hbm>>
      %dma_wait3A_16 = tpu.memref_squeeze %dma_wait3A_15 : memref<1x54x128xi32, #tpu.memory_space<hbm>> -> memref<54x128xi32, #tpu.memory_space<hbm>>
      %dma_wait3A_17 = arith.constant 0 : i32
      %dma_wait3A_18 = arith.constant 0 : i32
      %dma_wait3A_19 = tpu.memref_slice %arg3[%add3A, %dma_wait3A_17, %dma_wait3A_18] : memref<32x54x128xi32, #tpu.memory_space<hbm>> -> memref<1x54x128xi32, #tpu.memory_space<hbm>>
      %dma_wait3A_20 = tpu.memref_squeeze %dma_wait3A_19 : memref<1x54x128xi32, #tpu.memory_space<hbm>> -> memref<54x128xi32, #tpu.memory_space<hbm>>
      tpu.wait_dma2 semaphore(%run_scoped3A : memref<!tpu.dma_semaphore, #tpu.memory_space<semaphore_mem>>) src(%dma_wait3A_20 : memref<54x128xi32, #tpu.memory_space<hbm>>) dst(%arg5 : memref<54x128xi32, #tpu.memory_space<vmem>>)
      tpu.yield
    }) : () -> ()
    %scan3A = arith.constant 0 : i32
    %scan3A_1 = arith.constant 0 : i32
    %scan3A_2 = arith.constant 18 : i32
    %scan3A_3 = arith.addi %scan3A_1, %scan3A_2 : i32
    %scan3A_4 = arith.constant 1 : i32
    %scan3A_5 = scf.for %scan3A_7 = %scan3A_1 to %scan3A_3 step %scan3A_4 iter_args(%scan3A_8 = %scan3A) -> (i32)  : i32 {
      %mul3A_9 = arith.constant 3 : i32
      %mul3A_10 = arith.muli %scan3A_7, %mul3A_9 : i32
      %add3A_11 = arith.constant 0 : i32
      %add3A_12 = arith.addi %mul3A_10, %add3A_11 : i32
      %dma_start3A = arith.constant 0 : i32
      %dma_start3A_13 = arith.constant 0 : i32
      %dma_start3A_14 = tpu.memref_slice %arg6[%dma_start3A, %dma_start3A_13] : memref<384x128xf32, #tpu.memory_space<vmem>> -> memref<128x128xf32, #tpu.memory_space<vmem>>
      %dma_start3A_15 = arith.constant 0 : i32
      %dma_start3A_16 = tpu.memref_slice %arg5[%add3A_12, %dma_start3A_15] : memref<54x128xi32, #tpu.memory_space<vmem>> -> memref<1x128xi32, #tpu.memory_space<vmem>>
      %dma_start3A_17 = tpu.memref_squeeze %dma_start3A_16 : memref<1x128xi32, #tpu.memory_space<vmem>> -> memref<128xi32, #tpu.memory_space<vmem>>
      %dma_start3A_18 = arith.constant 0 : i32
      %dma_start3A_19 = arith.constant 0 : i32
      %dma_start3A_20 = tpu.memref_slice %arg2[%dma_start3A_18, %dma_start3A_19] : memref<4096x128xf32, #tpu.memory_space<hbm>> -> memref<4096x128xf32, #tpu.memory_space<hbm>>
      tpu.enqueue_indirect_dma source(%dma_start3A_20 : memref<4096x128xf32, #tpu.memory_space<hbm>>) target(%dma_start3A_14 : memref<128x128xf32, #tpu.memory_space<vmem>>) offsets(%dma_start3A_17 : memref<128xi32, #tpu.memory_space<vmem>>) semaphore(%arg7 : memref<!tpu.dma_semaphore, #tpu.memory_space<semaphore_mem>>)
      %mul3A_21 = arith.constant 3 : i32
      %mul3A_22 = arith.muli %scan3A_7, %mul3A_21 : i32
      %add3A_23 = arith.constant 1 : i32
      %add3A_24 = arith.addi %mul3A_22, %add3A_23 : i32
      %dma_start3A_25 = arith.constant 128 : i32
      %dma_start3A_26 = arith.constant 0 : i32
      %dma_start3A_27 = tpu.memref_slice %arg6[%dma_start3A_25, %dma_start3A_26] : memref<384x128xf32, #tpu.memory_space<vmem>> -> memref<128x128xf32, #tpu.memory_space<vmem>>
      %dma_start3A_28 = arith.constant 0 : i32
      %dma_start3A_29 = tpu.memref_slice %arg5[%add3A_24, %dma_start3A_28] : memref<54x128xi32, #tpu.memory_space<vmem>> -> memref<1x128xi32, #tpu.memory_space<vmem>>
      %dma_start3A_30 = tpu.memref_squeeze %dma_start3A_29 : memref<1x128xi32, #tpu.memory_space<vmem>> -> memref<128xi32, #tpu.memory_space<vmem>>
      %dma_start3A_31 = arith.constant 0 : i32
      %dma_start3A_32 = arith.constant 0 : i32
      %dma_start3A_33 = tpu.memref_slice %arg2[%dma_start3A_31, %dma_start3A_32] : memref<4096x128xf32, #tpu.memory_space<hbm>> -> memref<4096x128xf32, #tpu.memory_space<hbm>>
      tpu.enqueue_indirect_dma source(%dma_start3A_33 : memref<4096x128xf32, #tpu.memory_space<hbm>>) target(%dma_start3A_27 : memref<128x128xf32, #tpu.memory_space<vmem>>) offsets(%dma_start3A_30 : memref<128xi32, #tpu.memory_space<vmem>>) semaphore(%arg7 : memref<!tpu.dma_semaphore, #tpu.memory_space<semaphore_mem>>)
      %mul3A_34 = arith.constant 3 : i32
      %mul3A_35 = arith.muli %scan3A_7, %mul3A_34 : i32
      %add3A_36 = arith.constant 2 : i32
      %add3A_37 = arith.addi %mul3A_35, %add3A_36 : i32
      %dma_start3A_38 = arith.constant 256 : i32
      %dma_start3A_39 = arith.constant 0 : i32
      %dma_start3A_40 = tpu.memref_slice %arg6[%dma_start3A_38, %dma_start3A_39] : memref<384x128xf32, #tpu.memory_space<vmem>> -> memref<128x128xf32, #tpu.memory_space<vmem>>
      %dma_start3A_41 = arith.constant 0 : i32
      %dma_start3A_42 = tpu.memref_slice %arg5[%add3A_37, %dma_start3A_41] : memref<54x128xi32, #tpu.memory_space<vmem>> -> memref<1x128xi32, #tpu.memory_space<vmem>>
      %dma_start3A_43 = tpu.memref_squeeze %dma_start3A_42 : memref<1x128xi32, #tpu.memory_space<vmem>> -> memref<128xi32, #tpu.memory_space<vmem>>
      %dma_start3A_44 = arith.constant 0 : i32
      %dma_start3A_45 = arith.constant 0 : i32
      %dma_start3A_46 = tpu.memref_slice %arg2[%dma_start3A_44, %dma_start3A_45] : memref<4096x128xf32, #tpu.memory_space<hbm>> -> memref<4096x128xf32, #tpu.memory_space<hbm>>
      tpu.enqueue_indirect_dma source(%dma_start3A_46 : memref<4096x128xf32, #tpu.memory_space<hbm>>) target(%dma_start3A_40 : memref<128x128xf32, #tpu.memory_space<vmem>>) offsets(%dma_start3A_43 : memref<128xi32, #tpu.memory_space<vmem>>) semaphore(%arg7 : memref<!tpu.dma_semaphore, #tpu.memory_space<semaphore_mem>>)
      %dma_wait3A = arith.constant 0 : i32
      %dma_wait3A_47 = arith.constant 0 : i32
      %dma_wait3A_48 = tpu.memref_slice %arg6[%dma_wait3A, %dma_wait3A_47] : memref<384x128xf32, #tpu.memory_space<vmem>> -> memref<128x128xf32, #tpu.memory_space<vmem>>
      %dma_wait3A_49 = arith.constant 0 : i32
      %dma_wait3A_50 = tpu.memref_slice %arg5[%add3A_12, %dma_wait3A_49] : memref<54x128xi32, #tpu.memory_space<vmem>> -> memref<1x128xi32, #tpu.memory_space<vmem>>
      %dma_wait3A_51 = tpu.memref_squeeze %dma_wait3A_50 : memref<1x128xi32, #tpu.memory_space<vmem>> -> memref<128xi32, #tpu.memory_space<vmem>>
      %dma_wait3A_52 = arith.constant 0 : i32
      %dma_wait3A_53 = arith.constant 0 : i32
      %dma_wait3A_54 = tpu.memref_slice %arg2[%dma_wait3A_52, %dma_wait3A_53] : memref<4096x128xf32, #tpu.memory_space<hbm>> -> memref<4096x128xf32, #tpu.memory_space<hbm>>
      tpu.wait_indirect_dma semaphore(%arg7 : memref<!tpu.dma_semaphore, #tpu.memory_space<semaphore_mem>>) src(%dma_wait3A_54 : memref<4096x128xf32, #tpu.memory_space<hbm>>) dst(%dma_wait3A_48 : memref<128x128xf32, #tpu.memory_space<vmem>>)
      %dma_wait3A_55 = arith.constant 128 : i32
      %dma_wait3A_56 = arith.constant 0 : i32
      %dma_wait3A_57 = tpu.memref_slice %arg6[%dma_wait3A_55, %dma_wait3A_56] : memref<384x128xf32, #tpu.memory_space<vmem>> -> memref<128x128xf32, #tpu.memory_space<vmem>>
      %dma_wait3A_58 = arith.constant 0 : i32
      %dma_wait3A_59 = tpu.memref_slice %arg5[%add3A_24, %dma_wait3A_58] : memref<54x128xi32, #tpu.memory_space<vmem>> -> memref<1x128xi32, #tpu.memory_space<vmem>>
      %dma_wait3A_60 = tpu.memref_squeeze %dma_wait3A_59 : memref<1x128xi32, #tpu.memory_space<vmem>> -> memref<128xi32, #tpu.memory_space<vmem>>
      %dma_wait3A_61 = arith.constant 0 : i32
      %dma_wait3A_62 = arith.constant 0 : i32
      %dma_wait3A_63 = tpu.memref_slice %arg2[%dma_wait3A_61, %dma_wait3A_62] : memref<4096x128xf32, #tpu.memory_space<hbm>> -> memref<4096x128xf32, #tpu.memory_space<hbm>>
      tpu.wait_indirect_dma semaphore(%arg7 : memref<!tpu.dma_semaphore, #tpu.memory_space<semaphore_mem>>) src(%dma_wait3A_63 : memref<4096x128xf32, #tpu.memory_space<hbm>>) dst(%dma_wait3A_57 : memref<128x128xf32, #tpu.memory_space<vmem>>)
      %dma_wait3A_64 = arith.constant 256 : i32
      %dma_wait3A_65 = arith.constant 0 : i32
      %dma_wait3A_66 = tpu.memref_slice %arg6[%dma_wait3A_64, %dma_wait3A_65] : memref<384x128xf32, #tpu.memory_space<vmem>> -> memref<128x128xf32, #tpu.memory_space<vmem>>
      %dma_wait3A_67 = arith.constant 0 : i32
      %dma_wait3A_68 = tpu.memref_slice %arg5[%add3A_37, %dma_wait3A_67] : memref<54x128xi32, #tpu.memory_space<vmem>> -> memref<1x128xi32, #tpu.memory_space<vmem>>
      %dma_wait3A_69 = tpu.memref_squeeze %dma_wait3A_68 : memref<1x128xi32, #tpu.memory_space<vmem>> -> memref<128xi32, #tpu.memory_space<vmem>>
      %dma_wait3A_70 = arith.constant 0 : i32
      %dma_wait3A_71 = arith.constant 0 : i32
      %dma_wait3A_72 = tpu.memref_slice %arg2[%dma_wait3A_70, %dma_wait3A_71] : memref<4096x128xf32, #tpu.memory_space<hbm>> -> memref<4096x128xf32, #tpu.memory_space<hbm>>
      tpu.wait_indirect_dma semaphore(%arg7 : memref<!tpu.dma_semaphore, #tpu.memory_space<semaphore_mem>>) src(%dma_wait3A_72 : memref<4096x128xf32, #tpu.memory_space<hbm>>) dst(%dma_wait3A_66 : memref<128x128xf32, #tpu.memory_space<vmem>>)
      %mul3A_73 = arith.constant 54 : i32
      %mul3A_74 = arith.muli %add3A, %mul3A_73 : i32
      %mul3A_75 = arith.constant 3 : i32
      %mul3A_76 = arith.muli %scan3A_7, %mul3A_75 : i32
      %add3A_77 = arith.addi %mul3A_74, %mul3A_76 : i32
      %mul3A_78 = arith.constant 128 : i32
      %mul3A_79 = arith.muli %add3A_77, %mul3A_78 : i32
      "tpu.region"() ({
        %run_scoped3A = tpu.sem_alloc : memref<!tpu.dma_semaphore, #tpu.memory_space<semaphore_mem>>
        %dma_start3A_81 = arith.constant 0 : i32
        %dma_start3A_82 = tpu.memref_slice %arg4[%mul3A_79, %dma_start3A_81] : memref<221184x128xf32, #tpu.memory_space<hbm>> -> memref<384x128xf32, #tpu.memory_space<hbm>>
        %dma_start3A_83 = arith.constant 0 : i32
        %dma_start3A_84 = tpu.memref_slice %arg4[%mul3A_79, %dma_start3A_83] : memref<221184x128xf32, #tpu.memory_space<hbm>> -> memref<384x128xf32, #tpu.memory_space<hbm>>
        tpu.enqueue_dma source(%arg6 : memref<384x128xf32, #tpu.memory_space<vmem>>) target(%dma_start3A_84 : memref<384x128xf32, #tpu.memory_space<hbm>>) target_semaphore(%run_scoped3A : memref<!tpu.dma_semaphore, #tpu.memory_space<semaphore_mem>>)
        %dma_wait3A_85 = arith.constant 0 : i32
        %dma_wait3A_86 = tpu.memref_slice %arg4[%mul3A_79, %dma_wait3A_85] : memref<221184x128xf32, #tpu.memory_space<hbm>> -> memref<384x128xf32, #tpu.memory_space<hbm>>
        %dma_wait3A_87 = arith.constant 0 : i32
        %dma_wait3A_88 = tpu.memref_slice %arg4[%mul3A_79, %dma_wait3A_87] : memref<221184x128xf32, #tpu.memory_space<hbm>> -> memref<384x128xf32, #tpu.memory_space<hbm>>
        tpu.wait_dma2 semaphore(%run_scoped3A : memref<!tpu.dma_semaphore, #tpu.memory_space<semaphore_mem>>) src(%arg6 : memref<384x128xf32, #tpu.memory_space<vmem>>) dst(%dma_wait3A_88 : memref<384x128xf32, #tpu.memory_space<hbm>>)
        tpu.yield
      }) : () -> ()
      %scan3A_80 = arith.constant 0 : i32
      scf.yield %scan3A_80 : i32
    }
    %scan3A_6 = arith.constant 18 : i32
    return
  }
}

#map = affine_map<(d0, d1) -> (0, 0)>
#map1 = affine_map<(d0, d1) -> (0, 0, 0)>
module attributes {stable_mosaic.version = 14 : i64} {
  func.func @k(%arg0: i32, %arg1: i32, %arg2: memref<4096x128xf32, #tpu.memory_space<hbm>>, %arg3: memref<32x108x128xi32, #tpu.memory_space<hbm>>, %arg4: memref<442368x128xf32, #tpu.memory_space<hbm>>, %arg5: memref<108x128xi32, #tpu.memory_space<vmem>>, %arg6: memref<384x128xf32, #tpu.memory_space<vmem>>, %arg7: memref<!tpu.dma_semaphore, #tpu.memory_space<semaphore_mem>>) attributes {dimension_semantics = [#tpu.dimension_semantics<core_parallel>, #tpu.dimension_semantics<subcore_parallel>], iteration_bounds = array<i64: 2, 16>, scalar_prefetch = 0 : i64, scratch_operands = 3 : i64, tpu.core_type = #tpu.core_type<sc_vector_subcore>, window_params = [{transform_indices = #map}, {transform_indices = #map1}, {transform_indices = #map}]} {
    %mul3A = arith.constant 2 : i32
    %mul3A_0 = arith.muli %arg1, %mul3A : i32
    %add3A = arith.addi %mul3A_0, %arg0 : i32
    "tpu.region"() ({
      %run_scoped3A = tpu.sem_alloc : memref<!tpu.dma_semaphore, #tpu.memory_space<semaphore_mem>>
      %dma_start3A = arith.constant 0 : i32
      %dma_start3A_7 = arith.constant 0 : i32
      %dma_start3A_8 = tpu.memref_slice %arg3[%add3A, %dma_start3A, %dma_start3A_7] : memref<32x108x128xi32, #tpu.memory_space<hbm>> -> memref<1x108x128xi32, #tpu.memory_space<hbm>>
      %dma_start3A_9 = tpu.memref_squeeze %dma_start3A_8 : memref<1x108x128xi32, #tpu.memory_space<hbm>> -> memref<108x128xi32, #tpu.memory_space<hbm>>
      %dma_start3A_10 = arith.constant 0 : i32
      %dma_start3A_11 = arith.constant 0 : i32
      %dma_start3A_12 = tpu.memref_slice %arg3[%add3A, %dma_start3A_10, %dma_start3A_11] : memref<32x108x128xi32, #tpu.memory_space<hbm>> -> memref<1x108x128xi32, #tpu.memory_space<hbm>>
      %dma_start3A_13 = tpu.memref_squeeze %dma_start3A_12 : memref<1x108x128xi32, #tpu.memory_space<hbm>> -> memref<108x128xi32, #tpu.memory_space<hbm>>
      tpu.enqueue_dma source(%dma_start3A_13 : memref<108x128xi32, #tpu.memory_space<hbm>>) target(%arg5 : memref<108x128xi32, #tpu.memory_space<vmem>>) target_semaphore(%run_scoped3A : memref<!tpu.dma_semaphore, #tpu.memory_space<semaphore_mem>>)
      %dma_wait3A = arith.constant 0 : i32
      %dma_wait3A_14 = arith.constant 0 : i32
      %dma_wait3A_15 = tpu.memref_slice %arg3[%add3A, %dma_wait3A, %dma_wait3A_14] : memref<32x108x128xi32, #tpu.memory_space<hbm>> -> memref<1x108x128xi32, #tpu.memory_space<hbm>>
      %dma_wait3A_16 = tpu.memref_squeeze %dma_wait3A_15 : memref<1x108x128xi32, #tpu.memory_space<hbm>> -> memref<108x128xi32, #tpu.memory_space<hbm>>
      %dma_wait3A_17 = arith.constant 0 : i32
      %dma_wait3A_18 = arith.constant 0 : i32
      %dma_wait3A_19 = tpu.memref_slice %arg3[%add3A, %dma_wait3A_17, %dma_wait3A_18] : memref<32x108x128xi32, #tpu.memory_space<hbm>> -> memref<1x108x128xi32, #tpu.memory_space<hbm>>
      %dma_wait3A_20 = tpu.memref_squeeze %dma_wait3A_19 : memref<1x108x128xi32, #tpu.memory_space<hbm>> -> memref<108x128xi32, #tpu.memory_space<hbm>>
      tpu.wait_dma2 semaphore(%run_scoped3A : memref<!tpu.dma_semaphore, #tpu.memory_space<semaphore_mem>>) src(%dma_wait3A_20 : memref<108x128xi32, #tpu.memory_space<hbm>>) dst(%arg5 : memref<108x128xi32, #tpu.memory_space<vmem>>)
      tpu.yield
    }) : () -> ()
    %scan3A = arith.constant 0 : i32
    %scan3A_1 = arith.constant 0 : i32
    %scan3A_2 = arith.constant 36 : i32
    %scan3A_3 = arith.addi %scan3A_1, %scan3A_2 : i32
    %scan3A_4 = arith.constant 1 : i32
    %scan3A_5 = scf.for %scan3A_7 = %scan3A_1 to %scan3A_3 step %scan3A_4 iter_args(%scan3A_8 = %scan3A) -> (i32)  : i32 {
      %mul3A_9 = arith.constant 3 : i32
      %mul3A_10 = arith.muli %scan3A_7, %mul3A_9 : i32
      %add3A_11 = arith.constant 0 : i32
      %add3A_12 = arith.addi %mul3A_10, %add3A_11 : i32
      %dma_start3A = arith.constant 0 : i32
      %dma_start3A_13 = arith.constant 0 : i32
      %dma_start3A_14 = tpu.memref_slice %arg6[%dma_start3A, %dma_start3A_13] : memref<384x128xf32, #tpu.memory_space<vmem>> -> memref<128x128xf32, #tpu.memory_space<vmem>>
      %dma_start3A_15 = arith.constant 0 : i32
      %dma_start3A_16 = tpu.memref_slice %arg5[%add3A_12, %dma_start3A_15] : memref<108x128xi32, #tpu.memory_space<vmem>> -> memref<1x128xi32, #tpu.memory_space<vmem>>
      %dma_start3A_17 = tpu.memref_squeeze %dma_start3A_16 : memref<1x128xi32, #tpu.memory_space<vmem>> -> memref<128xi32, #tpu.memory_space<vmem>>
      %dma_start3A_18 = arith.constant 0 : i32
      %dma_start3A_19 = arith.constant 0 : i32
      %dma_start3A_20 = tpu.memref_slice %arg2[%dma_start3A_18, %dma_start3A_19] : memref<4096x128xf32, #tpu.memory_space<hbm>> -> memref<4096x128xf32, #tpu.memory_space<hbm>>
      tpu.enqueue_indirect_dma source(%dma_start3A_20 : memref<4096x128xf32, #tpu.memory_space<hbm>>) target(%dma_start3A_14 : memref<128x128xf32, #tpu.memory_space<vmem>>) offsets(%dma_start3A_17 : memref<128xi32, #tpu.memory_space<vmem>>) semaphore(%arg7 : memref<!tpu.dma_semaphore, #tpu.memory_space<semaphore_mem>>)
      %mul3A_21 = arith.constant 3 : i32
      %mul3A_22 = arith.muli %scan3A_7, %mul3A_21 : i32
      %add3A_23 = arith.constant 1 : i32
      %add3A_24 = arith.addi %mul3A_22, %add3A_23 : i32
      %dma_start3A_25 = arith.constant 128 : i32
      %dma_start3A_26 = arith.constant 0 : i32
      %dma_start3A_27 = tpu.memref_slice %arg6[%dma_start3A_25, %dma_start3A_26] : memref<384x128xf32, #tpu.memory_space<vmem>> -> memref<128x128xf32, #tpu.memory_space<vmem>>
      %dma_start3A_28 = arith.constant 0 : i32
      %dma_start3A_29 = tpu.memref_slice %arg5[%add3A_24, %dma_start3A_28] : memref<108x128xi32, #tpu.memory_space<vmem>> -> memref<1x128xi32, #tpu.memory_space<vmem>>
      %dma_start3A_30 = tpu.memref_squeeze %dma_start3A_29 : memref<1x128xi32, #tpu.memory_space<vmem>> -> memref<128xi32, #tpu.memory_space<vmem>>
      %dma_start3A_31 = arith.constant 0 : i32
      %dma_start3A_32 = arith.constant 0 : i32
      %dma_start3A_33 = tpu.memref_slice %arg2[%dma_start3A_31, %dma_start3A_32] : memref<4096x128xf32, #tpu.memory_space<hbm>> -> memref<4096x128xf32, #tpu.memory_space<hbm>>
      tpu.enqueue_indirect_dma source(%dma_start3A_33 : memref<4096x128xf32, #tpu.memory_space<hbm>>) target(%dma_start3A_27 : memref<128x128xf32, #tpu.memory_space<vmem>>) offsets(%dma_start3A_30 : memref<128xi32, #tpu.memory_space<vmem>>) semaphore(%arg7 : memref<!tpu.dma_semaphore, #tpu.memory_space<semaphore_mem>>)
      %mul3A_34 = arith.constant 3 : i32
      %mul3A_35 = arith.muli %scan3A_7, %mul3A_34 : i32
      %add3A_36 = arith.constant 2 : i32
      %add3A_37 = arith.addi %mul3A_35, %add3A_36 : i32
      %dma_start3A_38 = arith.constant 256 : i32
      %dma_start3A_39 = arith.constant 0 : i32
      %dma_start3A_40 = tpu.memref_slice %arg6[%dma_start3A_38, %dma_start3A_39] : memref<384x128xf32, #tpu.memory_space<vmem>> -> memref<128x128xf32, #tpu.memory_space<vmem>>
      %dma_start3A_41 = arith.constant 0 : i32
      %dma_start3A_42 = tpu.memref_slice %arg5[%add3A_37, %dma_start3A_41] : memref<108x128xi32, #tpu.memory_space<vmem>> -> memref<1x128xi32, #tpu.memory_space<vmem>>
      %dma_start3A_43 = tpu.memref_squeeze %dma_start3A_42 : memref<1x128xi32, #tpu.memory_space<vmem>> -> memref<128xi32, #tpu.memory_space<vmem>>
      %dma_start3A_44 = arith.constant 0 : i32
      %dma_start3A_45 = arith.constant 0 : i32
      %dma_start3A_46 = tpu.memref_slice %arg2[%dma_start3A_44, %dma_start3A_45] : memref<4096x128xf32, #tpu.memory_space<hbm>> -> memref<4096x128xf32, #tpu.memory_space<hbm>>
      tpu.enqueue_indirect_dma source(%dma_start3A_46 : memref<4096x128xf32, #tpu.memory_space<hbm>>) target(%dma_start3A_40 : memref<128x128xf32, #tpu.memory_space<vmem>>) offsets(%dma_start3A_43 : memref<128xi32, #tpu.memory_space<vmem>>) semaphore(%arg7 : memref<!tpu.dma_semaphore, #tpu.memory_space<semaphore_mem>>)
      %dma_wait3A = arith.constant 0 : i32
      %dma_wait3A_47 = arith.constant 0 : i32
      %dma_wait3A_48 = tpu.memref_slice %arg6[%dma_wait3A, %dma_wait3A_47] : memref<384x128xf32, #tpu.memory_space<vmem>> -> memref<128x128xf32, #tpu.memory_space<vmem>>
      %dma_wait3A_49 = arith.constant 0 : i32
      %dma_wait3A_50 = tpu.memref_slice %arg5[%add3A_12, %dma_wait3A_49] : memref<108x128xi32, #tpu.memory_space<vmem>> -> memref<1x128xi32, #tpu.memory_space<vmem>>
      %dma_wait3A_51 = tpu.memref_squeeze %dma_wait3A_50 : memref<1x128xi32, #tpu.memory_space<vmem>> -> memref<128xi32, #tpu.memory_space<vmem>>
      %dma_wait3A_52 = arith.constant 0 : i32
      %dma_wait3A_53 = arith.constant 0 : i32
      %dma_wait3A_54 = tpu.memref_slice %arg2[%dma_wait3A_52, %dma_wait3A_53] : memref<4096x128xf32, #tpu.memory_space<hbm>> -> memref<4096x128xf32, #tpu.memory_space<hbm>>
      tpu.wait_indirect_dma semaphore(%arg7 : memref<!tpu.dma_semaphore, #tpu.memory_space<semaphore_mem>>) src(%dma_wait3A_54 : memref<4096x128xf32, #tpu.memory_space<hbm>>) dst(%dma_wait3A_48 : memref<128x128xf32, #tpu.memory_space<vmem>>)
      %dma_wait3A_55 = arith.constant 128 : i32
      %dma_wait3A_56 = arith.constant 0 : i32
      %dma_wait3A_57 = tpu.memref_slice %arg6[%dma_wait3A_55, %dma_wait3A_56] : memref<384x128xf32, #tpu.memory_space<vmem>> -> memref<128x128xf32, #tpu.memory_space<vmem>>
      %dma_wait3A_58 = arith.constant 0 : i32
      %dma_wait3A_59 = tpu.memref_slice %arg5[%add3A_24, %dma_wait3A_58] : memref<108x128xi32, #tpu.memory_space<vmem>> -> memref<1x128xi32, #tpu.memory_space<vmem>>
      %dma_wait3A_60 = tpu.memref_squeeze %dma_wait3A_59 : memref<1x128xi32, #tpu.memory_space<vmem>> -> memref<128xi32, #tpu.memory_space<vmem>>
      %dma_wait3A_61 = arith.constant 0 : i32
      %dma_wait3A_62 = arith.constant 0 : i32
      %dma_wait3A_63 = tpu.memref_slice %arg2[%dma_wait3A_61, %dma_wait3A_62] : memref<4096x128xf32, #tpu.memory_space<hbm>> -> memref<4096x128xf32, #tpu.memory_space<hbm>>
      tpu.wait_indirect_dma semaphore(%arg7 : memref<!tpu.dma_semaphore, #tpu.memory_space<semaphore_mem>>) src(%dma_wait3A_63 : memref<4096x128xf32, #tpu.memory_space<hbm>>) dst(%dma_wait3A_57 : memref<128x128xf32, #tpu.memory_space<vmem>>)
      %dma_wait3A_64 = arith.constant 256 : i32
      %dma_wait3A_65 = arith.constant 0 : i32
      %dma_wait3A_66 = tpu.memref_slice %arg6[%dma_wait3A_64, %dma_wait3A_65] : memref<384x128xf32, #tpu.memory_space<vmem>> -> memref<128x128xf32, #tpu.memory_space<vmem>>
      %dma_wait3A_67 = arith.constant 0 : i32
      %dma_wait3A_68 = tpu.memref_slice %arg5[%add3A_37, %dma_wait3A_67] : memref<108x128xi32, #tpu.memory_space<vmem>> -> memref<1x128xi32, #tpu.memory_space<vmem>>
      %dma_wait3A_69 = tpu.memref_squeeze %dma_wait3A_68 : memref<1x128xi32, #tpu.memory_space<vmem>> -> memref<128xi32, #tpu.memory_space<vmem>>
      %dma_wait3A_70 = arith.constant 0 : i32
      %dma_wait3A_71 = arith.constant 0 : i32
      %dma_wait3A_72 = tpu.memref_slice %arg2[%dma_wait3A_70, %dma_wait3A_71] : memref<4096x128xf32, #tpu.memory_space<hbm>> -> memref<4096x128xf32, #tpu.memory_space<hbm>>
      tpu.wait_indirect_dma semaphore(%arg7 : memref<!tpu.dma_semaphore, #tpu.memory_space<semaphore_mem>>) src(%dma_wait3A_72 : memref<4096x128xf32, #tpu.memory_space<hbm>>) dst(%dma_wait3A_66 : memref<128x128xf32, #tpu.memory_space<vmem>>)
      %mul3A_73 = arith.constant 108 : i32
      %mul3A_74 = arith.muli %add3A, %mul3A_73 : i32
      %mul3A_75 = arith.constant 3 : i32
      %mul3A_76 = arith.muli %scan3A_7, %mul3A_75 : i32
      %add3A_77 = arith.addi %mul3A_74, %mul3A_76 : i32
      %mul3A_78 = arith.constant 128 : i32
      %mul3A_79 = arith.muli %add3A_77, %mul3A_78 : i32
      "tpu.region"() ({
        %run_scoped3A = tpu.sem_alloc : memref<!tpu.dma_semaphore, #tpu.memory_space<semaphore_mem>>
        %dma_start3A_81 = arith.constant 0 : i32
        %dma_start3A_82 = tpu.memref_slice %arg4[%mul3A_79, %dma_start3A_81] : memref<442368x128xf32, #tpu.memory_space<hbm>> -> memref<384x128xf32, #tpu.memory_space<hbm>>
        %dma_start3A_83 = arith.constant 0 : i32
        %dma_start3A_84 = tpu.memref_slice %arg4[%mul3A_79, %dma_start3A_83] : memref<442368x128xf32, #tpu.memory_space<hbm>> -> memref<384x128xf32, #tpu.memory_space<hbm>>
        tpu.enqueue_dma source(%arg6 : memref<384x128xf32, #tpu.memory_space<vmem>>) target(%dma_start3A_84 : memref<384x128xf32, #tpu.memory_space<hbm>>) target_semaphore(%run_scoped3A : memref<!tpu.dma_semaphore, #tpu.memory_space<semaphore_mem>>)
        %dma_wait3A_85 = arith.constant 0 : i32
        %dma_wait3A_86 = tpu.memref_slice %arg4[%mul3A_79, %dma_wait3A_85] : memref<442368x128xf32, #tpu.memory_space<hbm>> -> memref<384x128xf32, #tpu.memory_space<hbm>>
        %dma_wait3A_87 = arith.constant 0 : i32
        %dma_wait3A_88 = tpu.memref_slice %arg4[%mul3A_79, %dma_wait3A_87] : memref<442368x128xf32, #tpu.memory_space<hbm>> -> memref<384x128xf32, #tpu.memory_space<hbm>>
        tpu.wait_dma2 semaphore(%run_scoped3A : memref<!tpu.dma_semaphore, #tpu.memory_space<semaphore_mem>>) src(%arg6 : memref<384x128xf32, #tpu.memory_space<vmem>>) dst(%dma_wait3A_88 : memref<384x128xf32, #tpu.memory_space<hbm>>)
        tpu.yield
      }) : () -> ()
      %scan3A_80 = arith.constant 0 : i32
      scf.yield %scan3A_80 : i32
    }
    %scan3A_6 = arith.constant 36 : i32
    return
  }
}

module attributes {stable_mosaic.version = 14 : i64} {
  func.func @_select_body(%arg0: i32, %arg1: i32, %arg2: memref<1x3x128xf32, #tpu.memory_space<vmem>>, %arg3: memref<1x2048x3xf32, #tpu.memory_space<vmem>>, %arg4: memref<1x16x128xi32, #tpu.memory_space<vmem>>, %arg5: memref<1x32x128xi32, #tpu.memory_space<vmem>>, %arg6: memref<2048x128xi32, #tpu.memory_space<vmem>>, %arg7: memref<32x128xi32, #tpu.memory_space<vmem>>) attributes {dimension_semantics = [#tpu.dimension_semantics<arbitrary>, #tpu.dimension_semantics<arbitrary>], iteration_bounds = array<i64: 2, 54>, scalar_prefetch = 0 : i64, scratch_operands = 2 : i64, tpu.core_type = #tpu.core_type<tc>, window_params = [{transform_indices = @transform_0, window_bounds = array<i64: 1, 3, 128>}, {transform_indices = @transform_1, window_bounds = array<i64: 1, 2048, 3>}, {transform_indices = @transform_2, window_bounds = array<i64: 1, 16, 128>}, {transform_indices = @transform_3, window_bounds = array<i64: 1, 32, 128>}]} {
    %broadcast_in_dim3A = arith.constant 0.000000e+00 : f32
    %broadcast_in_dim3A_0 = vector.broadcast %broadcast_in_dim3A : f32 to vector<2048x128xf32>
    %get3A = arith.constant 0 : index
    %get3A_1 = arith.constant 0 : index
    %get3A_2 = arith.constant 0 : index
    %get3A_3 = vector.load %arg2[%get3A, %get3A_1, %get3A_2] : memref<1x3x128xf32, #tpu.memory_space<vmem>>, vector<1x1x128xf32>
    %get3A_4 = vector.shape_cast %get3A_3 : vector<1x1x128xf32> to vector<128xf32>
    %broadcast_in_dim3A_5 = vector.shape_cast %get3A_4 : vector<128xf32> to vector<1x128xf32>
    %get3A_6 = arith.constant 0 : index
    %get3A_7 = arith.constant 0 : index
    %get3A_8 = arith.constant 0 : index
    %get3A_9 = vector.load %arg3[%get3A_6, %get3A_7, %get3A_8] : memref<1x2048x3xf32, #tpu.memory_space<vmem>>, vector<1x2048x1xf32>
    %get3A_10 = vector.shape_cast %get3A_9 : vector<1x2048x1xf32> to vector<2048xf32>
    %broadcast_in_dim3A_11 = vector.shape_cast %get3A_10 : vector<2048xf32> to vector<2048x1xf32>
    %sub3A = vector.broadcast %broadcast_in_dim3A_11 : vector<2048x1xf32> to vector<2048x128xf32>
    %sub3A_12 = vector.broadcast %broadcast_in_dim3A_5 : vector<1x128xf32> to vector<2048x128xf32>
    %sub3A_13 = arith.subf %sub3A, %sub3A_12 : vector<2048x128xf32>
    %mul3A = arith.mulf %sub3A_13, %sub3A_13 : vector<2048x128xf32>
    %add3A = arith.addf %broadcast_in_dim3A_0, %mul3A : vector<2048x128xf32>
    %get3A_14 = arith.constant 0 : index
    %get3A_15 = arith.constant 1 : index
    %get3A_16 = arith.constant 0 : index
    %get3A_17 = vector.load %arg2[%get3A_14, %get3A_15, %get3A_16] : memref<1x3x128xf32, #tpu.memory_space<vmem>>, vector<1x1x128xf32>
    %get3A_18 = vector.shape_cast %get3A_17 : vector<1x1x128xf32> to vector<128xf32>
    %broadcast_in_dim3A_19 = vector.shape_cast %get3A_18 : vector<128xf32> to vector<1x128xf32>
    %get3A_20 = arith.constant 0 : index
    %get3A_21 = arith.constant 0 : index
    %get3A_22 = arith.constant 1 : index
    %get3A_23 = vector.load %arg3[%get3A_20, %get3A_21, %get3A_22] : memref<1x2048x3xf32, #tpu.memory_space<vmem>>, vector<1x2048x1xf32>
    %get3A_24 = vector.shape_cast %get3A_23 : vector<1x2048x1xf32> to vector<2048xf32>
    %broadcast_in_dim3A_25 = vector.shape_cast %get3A_24 : vector<2048xf32> to vector<2048x1xf32>
    %sub3A_26 = vector.broadcast %broadcast_in_dim3A_25 : vector<2048x1xf32> to vector<2048x128xf32>
    %sub3A_27 = vector.broadcast %broadcast_in_dim3A_19 : vector<1x128xf32> to vector<2048x128xf32>
    %sub3A_28 = arith.subf %sub3A_26, %sub3A_27 : vector<2048x128xf32>
    %mul3A_29 = arith.mulf %sub3A_28, %sub3A_28 : vector<2048x128xf32>
    %add3A_30 = arith.addf %add3A, %mul3A_29 : vector<2048x128xf32>
    %get3A_31 = arith.constant 0 : index
    %get3A_32 = arith.constant 2 : index
    %get3A_33 = arith.constant 0 : index
    %get3A_34 = vector.load %arg2[%get3A_31, %get3A_32, %get3A_33] : memref<1x3x128xf32, #tpu.memory_space<vmem>>, vector<1x1x128xf32>
    %get3A_35 = vector.shape_cast %get3A_34 : vector<1x1x128xf32> to vector<128xf32>
    %broadcast_in_dim3A_36 = vector.shape_cast %get3A_35 : vector<128xf32> to vector<1x128xf32>
    %get3A_37 = arith.constant 0 : index
    %get3A_38 = arith.constant 0 : index
    %get3A_39 = arith.constant 2 : index
    %get3A_40 = vector.load %arg3[%get3A_37, %get3A_38, %get3A_39] : memref<1x2048x3xf32, #tpu.memory_space<vmem>>, vector<1x2048x1xf32>
    %get3A_41 = vector.shape_cast %get3A_40 : vector<1x2048x1xf32> to vector<2048xf32>
    %broadcast_in_dim3A_42 = vector.shape_cast %get3A_41 : vector<2048xf32> to vector<2048x1xf32>
    %sub3A_43 = vector.broadcast %broadcast_in_dim3A_42 : vector<2048x1xf32> to vector<2048x128xf32>
    %sub3A_44 = vector.broadcast %broadcast_in_dim3A_36 : vector<1x128xf32> to vector<2048x128xf32>
    %sub3A_45 = arith.subf %sub3A_43, %sub3A_44 : vector<2048x128xf32>
    %mul3A_46 = arith.mulf %sub3A_45, %sub3A_45 : vector<2048x128xf32>
    %add3A_47 = arith.addf %add3A_30, %mul3A_46 : vector<2048x128xf32>
    %iota3A = tpu.iota {dimensions = array<i32: 0>} : vector<2048x128xi32>
    %bitcast_convert_type3A = tpu.bitcast %add3A_47 : vector<2048x128xf32> -> vector<2048x128xi32>
    %and3A = arith.constant -2048 : i32
    %and3A_48 = vector.broadcast %and3A : i32 to vector<2048x128xi32>
    %and3A_49 = arith.andi %bitcast_convert_type3A, %and3A_48 : vector<2048x128xi32>
    %or3A = arith.ori %and3A_49, %iota3A : vector<2048x128xi32>
    %swap3A = arith.constant 0 : index
    %swap3A_50 = arith.constant 0 : index
    %swap3A_51 = vector.load %arg6[%swap3A, %swap3A_50] : memref<2048x128xi32, #tpu.memory_space<vmem>>, vector<2048x128xi32>
    tpu.vector_store %arg6[%swap3A, %swap3A_50], %or3A {strides = array<i32>} : memref<2048x128xi32, #tpu.memory_space<vmem>>, vector<2048x128xi32>,
    %add3A_52 = arith.constant 1.000000e+06 : f32
    %add3A_53 = vector.broadcast %add3A_52 : f32 to vector<2048x128xf32>
    %add3A_54 = arith.addf %add3A_53, %add3A_47 : vector<2048x128xf32>
    %reduce_min3A = arith.constant dense<0x7F800000> : vector<128xf32>
    %reduce_min3A_55 = vector.multi_reduction <minimumf>, %add3A_54, %reduce_min3A [0] : vector<2048x128xf32> to vector<128xf32>
    %broadcast_in_dim3A_56 = vector.shape_cast %reduce_min3A_55 : vector<128xf32> to vector<1x128xf32>
    %eq3A = vector.broadcast %broadcast_in_dim3A_56 : vector<1x128xf32> to vector<2048x128xf32>
    %eq3A_57 = arith.cmpf oeq, %add3A_54, %eq3A : vector<2048x128xf32>
    %jit3A = arith.constant 2048 : i32
    %broadcast_in_dim3A_58 = vector.broadcast %jit3A : i32 to vector<2048x128xi32>
    %select_n3A = arith.select %eq3A_57, %iota3A, %broadcast_in_dim3A_58 : vector<2048x128xi1>, vector<2048x128xi32>
    %reduce_min3A_59 = arith.constant dense<2147483647> : vector<128xi32>
    %reduce_min3A_60 = vector.multi_reduction <minsi>, %select_n3A, %reduce_min3A_59 [0] : vector<2048x128xi32> to vector<128xi32>
    %broadcast_in_dim3A_61 = vector.shape_cast %reduce_min3A_60 : vector<128xi32> to vector<1x128xi32>
    %mul3A_62 = arith.constant 2048 : i32
    %mul3A_63 = arith.muli %arg0, %mul3A_62 : i32
    %add3A_64 = vector.broadcast %mul3A_63 : i32 to vector<1x128xi32>
    %add3A_65 = arith.addi %broadcast_in_dim3A_61, %add3A_64 : vector<1x128xi32>
    %scan3A = arith.constant 0 : i32
    %scan3A_66 = arith.constant 32 : i32
    %scan3A_67 = arith.addi %scan3A, %scan3A_66 : i32
    %scan3A_68 = arith.constant 2 : i32
    scf.for %scan3A_114 = %scan3A to %scan3A_67 step %scan3A_68  : i32 {
      %get3A_115 = arith.constant 0 : index
      %get3A_116 = arith.constant 0 : index
      %get3A_117 = vector.load %arg6[%get3A_115, %get3A_116] : memref<2048x128xi32, #tpu.memory_space<vmem>>, vector<2048x128xi32>
      %reduce_min3A_118 = arith.constant dense<2147483647> : vector<128xi32>
      %reduce_min3A_119 = vector.multi_reduction <minsi>, %get3A_117, %reduce_min3A_118 [0] : vector<2048x128xi32> to vector<128xi32>
      %broadcast_in_dim3A_120 = vector.shape_cast %reduce_min3A_119 : vector<128xi32> to vector<1x128xi32>
      %eq3A_121 = vector.broadcast %broadcast_in_dim3A_120 : vector<1x128xi32> to vector<2048x128xi32>
      %eq3A_122 = arith.cmpi eq, %get3A_117, %eq3A_121 : vector<2048x128xi32>
      %jit3A_123 = arith.constant 2147483647 : i32
      %broadcast_in_dim3A_124 = vector.broadcast %jit3A_123 : i32 to vector<2048x128xi32>
      %select_n3A_125 = arith.select %eq3A_122, %broadcast_in_dim3A_124, %get3A_117 : vector<2048x128xi1>, vector<2048x128xi32>
      %swap3A_126 = arith.constant 0 : index
      %swap3A_127 = arith.constant 0 : index
      %swap3A_128 = vector.load %arg6[%swap3A_126, %swap3A_127] : memref<2048x128xi32, #tpu.memory_space<vmem>>, vector<2048x128xi32>
      tpu.vector_store %arg6[%swap3A_126, %swap3A_127], %select_n3A_125 {strides = array<i32>} : memref<2048x128xi32, #tpu.memory_space<vmem>>, vector<2048x128xi32>,
      %broadcast_in_dim3A_129 = vector.shape_cast %reduce_min3A_119 : vector<128xi32> to vector<1x128xi32>
      %swap3A_130 = arith.index_cast %scan3A_114 : i32 to index
      %swap3A_131 = arith.constant 0 : index
      %swap3A_132 = vector.load %arg7[%swap3A_130, %swap3A_131] : memref<32x128xi32, #tpu.memory_space<vmem>>, vector<1x128xi32>
      tpu.vector_store %arg7[%swap3A_130, %swap3A_131], %broadcast_in_dim3A_129 {strides = array<i32>} : memref<32x128xi32, #tpu.memory_space<vmem>>, vector<1x128xi32>,
      %scan3A_133 = arith.constant 1 : i32
      %scan3A_134 = arith.addi %scan3A_114, %scan3A_133 : i32
      %get3A_135 = arith.constant 0 : index
      %get3A_136 = arith.constant 0 : index
      %get3A_137 = vector.load %arg6[%get3A_135, %get3A_136] : memref<2048x128xi32, #tpu.memory_space<vmem>>, vector<2048x128xi32>
      %reduce_min3A_138 = arith.constant dense<2147483647> : vector<128xi32>
      %reduce_min3A_139 = vector.multi_reduction <minsi>, %get3A_137, %reduce_min3A_138 [0] : vector<2048x128xi32> to vector<128xi32>
      %broadcast_in_dim3A_140 = vector.shape_cast %reduce_min3A_139 : vector<128xi32> to vector<1x128xi32>
      %eq3A_141 = vector.broadcast %broadcast_in_dim3A_140 : vector<1x128xi32> to vector<2048x128xi32>
      %eq3A_142 = arith.cmpi eq, %get3A_137, %eq3A_141 : vector<2048x128xi32>
      %jit3A_143 = arith.constant 2147483647 : i32
      %broadcast_in_dim3A_144 = vector.broadcast %jit3A_143 : i32 to vector<2048x128xi32>
      %select_n3A_145 = arith.select %eq3A_142, %broadcast_in_dim3A_144, %get3A_137 : vector<2048x128xi1>, vector<2048x128xi32>
      %swap3A_146 = arith.constant 0 : index
      %swap3A_147 = arith.constant 0 : index
      %swap3A_148 = vector.load %arg6[%swap3A_146, %swap3A_147] : memref<2048x128xi32, #tpu.memory_space<vmem>>, vector<2048x128xi32>
      tpu.vector_store %arg6[%swap3A_146, %swap3A_147], %select_n3A_145 {strides = array<i32>} : memref<2048x128xi32, #tpu.memory_space<vmem>>, vector<2048x128xi32>,
      %broadcast_in_dim3A_149 = vector.shape_cast %reduce_min3A_139 : vector<128xi32> to vector<1x128xi32>
      %swap3A_150 = arith.index_cast %scan3A_134 : i32 to index
      %swap3A_151 = arith.constant 0 : index
      %swap3A_152 = vector.load %arg7[%swap3A_150, %swap3A_151] : memref<32x128xi32, #tpu.memory_space<vmem>>, vector<1x128xi32>
      tpu.vector_store %arg7[%swap3A_150, %swap3A_151], %broadcast_in_dim3A_149 {strides = array<i32>} : memref<32x128xi32, #tpu.memory_space<vmem>>, vector<1x128xi32>,
    }
    %scan3A_69 = arith.constant 32 : i32
    %get3A_70 = arith.constant 0 : index
    %get3A_71 = arith.constant 0 : index
    %get3A_72 = vector.load %arg7[%get3A_70, %get3A_71] : memref<32x128xi32, #tpu.memory_space<vmem>>, vector<32x128xi32>
    %and3A_73 = arith.constant 2047 : i32
    %and3A_74 = vector.broadcast %and3A_73 : i32 to vector<32x128xi32>
    %and3A_75 = arith.andi %get3A_72, %and3A_74 : vector<32x128xi32>
    %mul3A_76 = arith.constant 2048 : i32
    %mul3A_77 = arith.muli %arg0, %mul3A_76 : i32
    %add3A_78 = vector.broadcast %mul3A_77 : i32 to vector<32x128xi32>
    %add3A_79 = arith.addi %and3A_75, %add3A_78 : vector<32x128xi32>
    %and3A_80 = arith.constant -2048 : i32
    %and3A_81 = vector.broadcast %and3A_80 : i32 to vector<32x128xi32>
    %and3A_82 = arith.andi %get3A_72, %and3A_81 : vector<32x128xi32>
    %bitcast_convert_type3A_83 = tpu.bitcast %and3A_82 : vector<32x128xi32> -> vector<32x128xf32>
    %slice3A = vector.extract_strided_slice %bitcast_convert_type3A_83 {offsets = [0, 0], sizes = [16, 128], strides = [1, 1]} : vector<32x128xf32> to vector<16x128xf32>
    %le3A = arith.constant 6.400000e-01 : f32
    %le3A_84 = vector.broadcast %le3A : f32 to vector<16x128xf32>
    %le3A_85 = arith.cmpf ole, %slice3A, %le3A_84 : vector<16x128xf32>
    %slice3A_86 = vector.extract_strided_slice %le3A_85 {offsets = [0, 0], sizes = [1, 128], strides = [1, 1]} : vector<16x128xi1> to vector<1x128xi1>
    %slice3A_87 = vector.extract_strided_slice %add3A_79 {offsets = [0, 0], sizes = [1, 128], strides = [1, 1]} : vector<32x128xi32> to vector<1x128xi32>
    %select_n3A_88 = arith.select %slice3A_86, %slice3A_87, %add3A_65 : vector<1x128xi1>, vector<1x128xi32>
    %slice3A_89 = vector.extract_strided_slice %add3A_79 {offsets = [0, 0], sizes = [16, 128], strides = [1, 1]} : vector<32x128xi32> to vector<16x128xi32>
    %broadcast_in_dim3A_90 = vector.shape_cast %select_n3A_88 : vector<1x128xi32> to vector<1x128xi32>
    %broadcast_in_dim3A_91 = vector.broadcast %broadcast_in_dim3A_90 : vector<1x128xi32> to vector<16x128xi32>
    %select_n3A_92 = arith.select %le3A_85, %slice3A_89, %broadcast_in_dim3A_91 : vector<16x128xi1>, vector<16x128xi32>
    %swap3A_93 = arith.constant 0 : index
    %swap3A_94 = arith.constant 0 : index
    %swap3A_95 = arith.constant 0 : index
    %swap3A_96 = vector.load %arg4[%swap3A_93, %swap3A_94, %swap3A_95] : memref<1x16x128xi32, #tpu.memory_space<vmem>>, vector<1x16x128xi32>
    %swap3A_97 = vector.shape_cast %swap3A_96 : vector<1x16x128xi32> to vector<16x128xi32>
    %swap3A_98 = vector.shape_cast %select_n3A_92 : vector<16x128xi32> to vector<1x16x128xi32>
    tpu.vector_store %arg4[%swap3A_93, %swap3A_94, %swap3A_95], %swap3A_98 {strides = array<i32>} : memref<1x16x128xi32, #tpu.memory_space<vmem>>, vector<1x16x128xi32>,
    %le3A_99 = arith.constant 2.560000e+00 : f32
    %le3A_100 = vector.broadcast %le3A_99 : f32 to vector<32x128xf32>
    %le3A_101 = arith.cmpf ole, %bitcast_convert_type3A_83, %le3A_100 : vector<32x128xf32>
    %slice3A_102 = vector.extract_strided_slice %le3A_101 {offsets = [0, 0], sizes = [1, 128], strides = [1, 1]} : vector<32x128xi1> to vector<1x128xi1>
    %slice3A_103 = vector.extract_strided_slice %add3A_79 {offsets = [0, 0], sizes = [1, 128], strides = [1, 1]} : vector<32x128xi32> to vector<1x128xi32>
    %select_n3A_104 = arith.select %slice3A_102, %slice3A_103, %add3A_65 : vector<1x128xi1>, vector<1x128xi32>
    %broadcast_in_dim3A_105 = vector.shape_cast %select_n3A_104 : vector<1x128xi32> to vector<1x128xi32>
    %broadcast_in_dim3A_106 = vector.broadcast %broadcast_in_dim3A_105 : vector<1x128xi32> to vector<32x128xi32>
    %select_n3A_107 = arith.select %le3A_101, %add3A_79, %broadcast_in_dim3A_106 : vector<32x128xi1>, vector<32x128xi32>
    %swap3A_108 = arith.constant 0 : index
    %swap3A_109 = arith.constant 0 : index
    %swap3A_110 = arith.constant 0 : index
    %swap3A_111 = vector.load %arg5[%swap3A_108, %swap3A_109, %swap3A_110] : memref<1x32x128xi32, #tpu.memory_space<vmem>>, vector<1x32x128xi32>
    %swap3A_112 = vector.shape_cast %swap3A_111 : vector<1x32x128xi32> to vector<32x128xi32>
    %swap3A_113 = vector.shape_cast %select_n3A_107 : vector<32x128xi32> to vector<1x32x128xi32>
    tpu.vector_store %arg5[%swap3A_108, %swap3A_109, %swap3A_110], %swap3A_113 {strides = array<i32>} : memref<1x32x128xi32, #tpu.memory_space<vmem>>, vector<1x32x128xi32>,
    return
  }
  func.func @transform_0(%arg0: i32, %arg1: i32) -> (i32, i32, i32) {
    %c0_i32 = arith.constant 0 : i32
    %c0_i32_0 = arith.constant 0 : i32
    return %arg0, %c0_i32, %arg1 : i32, i32, i32
  }
  func.func @transform_1(%arg0: i32, %arg1: i32) -> (i32, i32, i32) {
    %c0_i32 = arith.constant 0 : i32
    %c0_i32_0 = arith.constant 0 : i32
    %c0_i32_1 = arith.constant 0 : i32
    return %arg0, %c0_i32, %c0_i32_0 : i32, i32, i32
  }
  func.func @transform_2(%arg0: i32, %arg1: i32) -> (i32, i32, i32) {
    %c0_i32 = arith.constant 0 : i32
    %c0_i32_0 = arith.constant 0 : i32
    return %arg0, %c0_i32, %arg1 : i32, i32, i32
  }
  func.func @transform_3(%arg0: i32, %arg1: i32) -> (i32, i32, i32) {
    %c0_i32 = arith.constant 0 : i32
    %c0_i32_0 = arith.constant 0 : i32
    return %arg0, %c0_i32, %arg1 : i32, i32, i32
  }
}

module attributes {stable_mosaic.version = 14 : i64} {
  func.func @_stats1_body(%arg0: i32, %arg1: memref<2048x128xf32, #tpu.memory_space<vmem>>, %arg2: memref<128x3xf32, #tpu.memory_space<vmem>>, %arg3: memref<128x32xf32, #tpu.memory_space<vmem>>, %arg4: memref<2x32xf32, #tpu.memory_space<vmem>>) attributes {dimension_semantics = [#tpu.dimension_semantics<arbitrary>], iteration_bounds = array<i64: 108>, scalar_prefetch = 0 : i64, scratch_operands = 0 : i64, tpu.core_type = #tpu.core_type<tc>, window_params = [{transform_indices = @transform_0, window_bounds = array<i64: 2048, 128>}, {transform_indices = @transform_1, window_bounds = array<i64: 128, 3>}, {pipeline_mode = #tpu.pipeline_mode<synchronous>, transform_indices = @transform_2, window_bounds = array<i64: 128, 32>}, {pipeline_mode = #tpu.pipeline_mode<synchronous>, transform_indices = @transform_3, window_bounds = array<i64: 2, 32>}]} {
    %get3A = arith.constant 0 : index
    %get3A_0 = arith.constant 0 : index
    %get3A_1 = vector.load %arg1[%get3A, %get3A_0] : memref<2048x128xf32, #tpu.memory_space<vmem>>, vector<2048x128xf32>
    %get3A_2 = arith.constant 0 : index
    %get3A_3 = arith.constant 0 : index
    %get3A_4 = vector.load %arg3[%get3A_2, %get3A_3] : memref<128x32xf32, #tpu.memory_space<vmem>>, vector<128x32xf32>
    %dot_general3A = arith.constant dense<0.000000e+00> : vector<2048x32xf32>
    %dot_general3A_5 = tpu.matmul %get3A_1, %get3A_4, %dot_general3A {dimension_numbers = #tpu.dot_dimension_numbers<[1], [0], [0], [1], [0, 0, 1, 1], [], []>, transpose_lhs_hint = false} : vector<2048x128xf32>, vector<128x32xf32>, vector<2048x32xf32> -> vector<2048x32xf32>
    %reshape3A = vector.shape_cast %dot_general3A_5 : vector<2048x32xf32> to vector<128x16x32xf32>
    %get3A_6 = arith.constant 0 : index
    %get3A_7 = arith.constant 0 : index
    %get3A_8 = vector.load %arg2[%get3A_6, %get3A_7] : memref<128x3xf32, #tpu.memory_space<vmem>>, vector<128x3xf32>
    %slice3A = vector.extract_strided_slice %get3A_4 {offsets = [0, 0], sizes = [3, 32], strides = [1, 1]} : vector<128x32xf32> to vector<3x32xf32>
    %dot_general3A_9 = arith.constant dense<0.000000e+00> : vector<128x32xf32>
    %dot_general3A_10 = tpu.matmul %get3A_8, %slice3A, %dot_general3A_9 {dimension_numbers = #tpu.dot_dimension_numbers<[1], [0], [0], [1], [0, 0, 1, 1], [], []>, transpose_lhs_hint = false} : vector<128x3xf32>, vector<3x32xf32>, vector<128x32xf32> -> vector<128x32xf32>
    %broadcast_in_dim3A = vector.shape_cast %dot_general3A_10 : vector<128x32xf32> to vector<128x1x32xf32>
    %sub3A = vector.broadcast %broadcast_in_dim3A : vector<128x1x32xf32> to vector<128x16x32xf32>
    %sub3A_11 = arith.subf %reshape3A, %sub3A : vector<128x16x32xf32>
    %reduce_sum3A = arith.constant dense<0.000000e+00> : vector<32xf32>
    %reduce_sum3A_12 = vector.multi_reduction <add>, %sub3A_11, %reduce_sum3A [0, 1] : vector<128x16x32xf32> to vector<32xf32>
    %mul3A = arith.mulf %sub3A_11, %sub3A_11 : vector<128x16x32xf32>
    %reduce_sum3A_13 = arith.constant dense<0.000000e+00> : vector<32xf32>
    %reduce_sum3A_14 = vector.multi_reduction <add>, %mul3A, %reduce_sum3A_13 [0, 1] : vector<128x16x32xf32> to vector<32xf32>
    %eq3A = arith.constant 0 : i32
    %eq3A_15 = arith.cmpi eq, %arg0, %eq3A : i32
    %convert_element_type3A = arith.extui %eq3A_15 : i1 to i32
    %cond3A = arith.constant 0 : i32
    %cond3A_16 = arith.cmpi ne, %convert_element_type3A, %cond3A : i32
    scf.if %cond3A_16 {
      %broadcast_in_dim3A_35 = arith.constant 0.000000e+00 : f32
      %broadcast_in_dim3A_36 = vector.broadcast %broadcast_in_dim3A_35 : f32 to vector<2x32xf32>
      %swap3A_37 = arith.constant 0 : index
      %swap3A_38 = arith.constant 0 : index
      %swap3A_39 = vector.load %arg4[%swap3A_37, %swap3A_38] : memref<2x32xf32, #tpu.memory_space<vmem>>, vector<2x32xf32>
      tpu.vector_store %arg4[%swap3A_37, %swap3A_38], %broadcast_in_dim3A_36 {strides = array<i32>} : memref<2x32xf32, #tpu.memory_space<vmem>>, vector<2x32xf32>,
    } else {
    }
    %get3A_17 = arith.constant 0 : index
    %get3A_18 = arith.constant 0 : index
    %get3A_19 = vector.load %arg4[%get3A_17, %get3A_18] : memref<2x32xf32, #tpu.memory_space<vmem>>, vector<1x32xf32>
    %get3A_20 = vector.shape_cast %get3A_19 : vector<1x32xf32> to vector<32xf32>
    %add3A = arith.addf %get3A_20, %reduce_sum3A_12 : vector<32xf32>
    %swap3A = arith.constant 0 : index
    %swap3A_21 = arith.constant 0 : index
    %swap3A_22 = vector.load %arg4[%swap3A, %swap3A_21] : memref<2x32xf32, #tpu.memory_space<vmem>>, vector<1x32xf32>
    %swap3A_23 = vector.shape_cast %swap3A_22 : vector<1x32xf32> to vector<32xf32>
    %swap3A_24 = vector.shape_cast %add3A : vector<32xf32> to vector<1x32xf32>
    tpu.vector_store %arg4[%swap3A, %swap3A_21], %swap3A_24 {strides = array<i32>} : memref<2x32xf32, #tpu.memory_space<vmem>>, vector<1x32xf32>,
    %get3A_25 = arith.constant 1 : index
    %get3A_26 = arith.constant 0 : index
    %get3A_27 = vector.load %arg4[%get3A_25, %get3A_26] : memref<2x32xf32, #tpu.memory_space<vmem>>, vector<1x32xf32>
    %get3A_28 = vector.shape_cast %get3A_27 : vector<1x32xf32> to vector<32xf32>
    %add3A_29 = arith.addf %get3A_28, %reduce_sum3A_14 : vector<32xf32>
    %swap3A_30 = arith.constant 1 : index
    %swap3A_31 = arith.constant 0 : index
    %swap3A_32 = vector.load %arg4[%swap3A_30, %swap3A_31] : memref<2x32xf32, #tpu.memory_space<vmem>>, vector<1x32xf32>
    %swap3A_33 = vector.shape_cast %swap3A_32 : vector<1x32xf32> to vector<32xf32>
    %swap3A_34 = vector.shape_cast %add3A_29 : vector<32xf32> to vector<1x32xf32>
    tpu.vector_store %arg4[%swap3A_30, %swap3A_31], %swap3A_34 {strides = array<i32>} : memref<2x32xf32, #tpu.memory_space<vmem>>, vector<1x32xf32>,
    return
  }
  func.func @transform_0(%arg0: i32) -> (i32, i32) {
    %c0_i32 = arith.constant 0 : i32
    %c0_i32_0 = arith.constant 0 : i32
    return %arg0, %c0_i32 : i32, i32
  }
  func.func @transform_1(%arg0: i32) -> (i32, i32) {
    %c0_i32 = arith.constant 0 : i32
    %c0_i32_0 = arith.constant 0 : i32
    return %arg0, %c0_i32 : i32, i32
  }
  func.func @transform_2(%arg0: i32) -> (i32, i32) {
    %c0_i32 = arith.constant 0 : i32
    %c0_i32_0 = arith.constant 0 : i32
    %c0_i32_1 = arith.constant 0 : i32
    return %c0_i32, %c0_i32_0 : i32, i32
  }
  func.func @transform_3(%arg0: i32) -> (i32, i32) {
    %c0_i32 = arith.constant 0 : i32
    %c0_i32_0 = arith.constant 0 : i32
    %c0_i32_1 = arith.constant 0 : i32
    return %c0_i32, %c0_i32_0 : i32, i32
  }
}

module attributes {stable_mosaic.version = 14 : i64} {
  func.func @_stats2_body(%arg0: i32, %arg1: memref<2048x128xf32, #tpu.memory_space<vmem>>, %arg2: memref<128x3xf32, #tpu.memory_space<vmem>>, %arg3: memref<128x32xf32, #tpu.memory_space<vmem>>, %arg4: memref<1x32xf32, #tpu.memory_space<vmem>>, %arg5: memref<1x32xf32, #tpu.memory_space<vmem>>, %arg6: memref<32x64xf32, #tpu.memory_space<vmem>>, %arg7: memref<2x64xf32, #tpu.memory_space<vmem>>) attributes {dimension_semantics = [#tpu.dimension_semantics<arbitrary>], iteration_bounds = array<i64: 108>, scalar_prefetch = 0 : i64, scratch_operands = 0 : i64, tpu.core_type = #tpu.core_type<tc>, window_params = [{transform_indices = @transform_0, window_bounds = array<i64: 2048, 128>}, {transform_indices = @transform_1, window_bounds = array<i64: 128, 3>}, {pipeline_mode = #tpu.pipeline_mode<synchronous>, transform_indices = @transform_2, window_bounds = array<i64: 128, 32>}, {pipeline_mode = #tpu.pipeline_mode<synchronous>, transform_indices = @transform_3, window_bounds = array<i64: 1, 32>}, {pipeline_mode = #tpu.pipeline_mode<synchronous>, transform_indices = @transform_4, window_bounds = array<i64: 1, 32>}, {pipeline_mode = #tpu.pipeline_mode<synchronous>, transform_indices = @transform_5, window_bounds = array<i64: 32, 64>}, {pipeline_mode = #tpu.pipeline_mode<synchronous>, transform_indices = @transform_6, window_bounds = array<i64: 2, 64>}]} {
    %get3A = arith.constant 0 : index
    %get3A_0 = arith.constant 0 : index
    %get3A_1 = vector.load %arg1[%get3A, %get3A_0] : memref<2048x128xf32, #tpu.memory_space<vmem>>, vector<2048x128xf32>
    %get3A_2 = arith.constant 0 : index
    %get3A_3 = arith.constant 0 : index
    %get3A_4 = vector.load %arg3[%get3A_2, %get3A_3] : memref<128x32xf32, #tpu.memory_space<vmem>>, vector<128x32xf32>
    %dot_general3A = arith.constant dense<0.000000e+00> : vector<2048x32xf32>
    %dot_general3A_5 = tpu.matmul %get3A_1, %get3A_4, %dot_general3A {dimension_numbers = #tpu.dot_dimension_numbers<[1], [0], [0], [1], [0, 0, 1, 1], [], []>, transpose_lhs_hint = false} : vector<2048x128xf32>, vector<128x32xf32>, vector<2048x32xf32> -> vector<2048x32xf32>
    %reshape3A = vector.shape_cast %dot_general3A_5 : vector<2048x32xf32> to vector<128x16x32xf32>
    %get3A_6 = arith.constant 0 : index
    %get3A_7 = arith.constant 0 : index
    %get3A_8 = vector.load %arg2[%get3A_6, %get3A_7] : memref<128x3xf32, #tpu.memory_space<vmem>>, vector<128x3xf32>
    %slice3A = vector.extract_strided_slice %get3A_4 {offsets = [0, 0], sizes = [3, 32], strides = [1, 1]} : vector<128x32xf32> to vector<3x32xf32>
    %dot_general3A_9 = arith.constant dense<0.000000e+00> : vector<128x32xf32>
    %dot_general3A_10 = tpu.matmul %get3A_8, %slice3A, %dot_general3A_9 {dimension_numbers = #tpu.dot_dimension_numbers<[1], [0], [0], [1], [0, 0, 1, 1], [], []>, transpose_lhs_hint = false} : vector<128x3xf32>, vector<3x32xf32>, vector<128x32xf32> -> vector<128x32xf32>
    %broadcast_in_dim3A = vector.shape_cast %dot_general3A_10 : vector<128x32xf32> to vector<128x1x32xf32>
    %sub3A = vector.broadcast %broadcast_in_dim3A : vector<128x1x32xf32> to vector<128x16x32xf32>
    %sub3A_11 = arith.subf %reshape3A, %sub3A : vector<128x16x32xf32>
    %get3A_12 = arith.constant 0 : index
    %get3A_13 = arith.constant 0 : index
    %get3A_14 = vector.load %arg4[%get3A_12, %get3A_13] : memref<1x32xf32, #tpu.memory_space<vmem>>, vector<1x32xf32>
    %get3A_15 = vector.shape_cast %get3A_14 : vector<1x32xf32> to vector<32xf32>
    %broadcast_in_dim3A_16 = vector.shape_cast %get3A_15 : vector<32xf32> to vector<1x1x32xf32>
    %mul3A = vector.broadcast %broadcast_in_dim3A_16 : vector<1x1x32xf32> to vector<128x16x32xf32>
    %mul3A_17 = arith.mulf %sub3A_11, %mul3A : vector<128x16x32xf32>
    %get3A_18 = arith.constant 0 : index
    %get3A_19 = arith.constant 0 : index
    %get3A_20 = vector.load %arg5[%get3A_18, %get3A_19] : memref<1x32xf32, #tpu.memory_space<vmem>>, vector<1x32xf32>
    %get3A_21 = vector.shape_cast %get3A_20 : vector<1x32xf32> to vector<32xf32>
    %broadcast_in_dim3A_22 = vector.shape_cast %get3A_21 : vector<32xf32> to vector<1x1x32xf32>
    %add3A = vector.broadcast %broadcast_in_dim3A_22 : vector<1x1x32xf32> to vector<128x16x32xf32>
    %add3A_23 = arith.addf %mul3A_17, %add3A : vector<128x16x32xf32>
    %max3A = arith.constant 0.000000e+00 : f32
    %max3A_24 = vector.broadcast %max3A : f32 to vector<128x16x32xf32>
    %max3A_25 = arith.maximumf %add3A_23, %max3A_24 : vector<128x16x32xf32>
    %reshape3A_26 = vector.shape_cast %max3A_25 : vector<128x16x32xf32> to vector<2048x32xf32>
    %get3A_27 = arith.constant 0 : index
    %get3A_28 = arith.constant 0 : index
    %get3A_29 = vector.load %arg6[%get3A_27, %get3A_28] : memref<32x64xf32, #tpu.memory_space<vmem>>, vector<32x64xf32>
    %dot_general3A_30 = arith.constant dense<0.000000e+00> : vector<2048x64xf32>
    %dot_general3A_31 = tpu.matmul %reshape3A_26, %get3A_29, %dot_general3A_30 {dimension_numbers = #tpu.dot_dimension_numbers<[1], [0], [0], [1], [0, 0, 1, 1], [], []>, transpose_lhs_hint = false} : vector<2048x32xf32>, vector<32x64xf32>, vector<2048x64xf32> -> vector<2048x64xf32>
    %reduce_sum3A = arith.constant dense<0.000000e+00> : vector<64xf32>
    %reduce_sum3A_32 = vector.multi_reduction <add>, %dot_general3A_31, %reduce_sum3A [0] : vector<2048x64xf32> to vector<64xf32>
    %mul3A_33 = arith.mulf %dot_general3A_31, %dot_general3A_31 : vector<2048x64xf32>
    %reduce_sum3A_34 = arith.constant dense<0.000000e+00> : vector<64xf32>
    %reduce_sum3A_35 = vector.multi_reduction <add>, %mul3A_33, %reduce_sum3A_34 [0] : vector<2048x64xf32> to vector<64xf32>
    %eq3A = arith.constant 0 : i32
    %eq3A_36 = arith.cmpi eq, %arg0, %eq3A : i32
    %convert_element_type3A = arith.extui %eq3A_36 : i1 to i32
    %cond3A = arith.constant 0 : i32
    %cond3A_37 = arith.cmpi ne, %convert_element_type3A, %cond3A : i32
    scf.if %cond3A_37 {
      %broadcast_in_dim3A_57 = arith.constant 0.000000e+00 : f32
      %broadcast_in_dim3A_58 = vector.broadcast %broadcast_in_dim3A_57 : f32 to vector<2x64xf32>
      %swap3A_59 = arith.constant 0 : index
      %swap3A_60 = arith.constant 0 : index
      %swap3A_61 = vector.load %arg7[%swap3A_59, %swap3A_60] : memref<2x64xf32, #tpu.memory_space<vmem>>, vector<2x64xf32>
      tpu.vector_store %arg7[%swap3A_59, %swap3A_60], %broadcast_in_dim3A_58 {strides = array<i32>} : memref<2x64xf32, #tpu.memory_space<vmem>>, vector<2x64xf32>,
    } else {
    }
    %get3A_38 = arith.constant 0 : index
    %get3A_39 = arith.constant 0 : index
    %get3A_40 = vector.load %arg7[%get3A_38, %get3A_39] : memref<2x64xf32, #tpu.memory_space<vmem>>, vector<1x64xf32>
    %get3A_41 = vector.shape_cast %get3A_40 : vector<1x64xf32> to vector<64xf32>
    %add3A_42 = arith.addf %get3A_41, %reduce_sum3A_32 : vector<64xf32>
    %swap3A = arith.constant 0 : index
    %swap3A_43 = arith.constant 0 : index
    %swap3A_44 = vector.load %arg7[%swap3A, %swap3A_43] : memref<2x64xf32, #tpu.memory_space<vmem>>, vector<1x64xf32>
    %swap3A_45 = vector.shape_cast %swap3A_44 : vector<1x64xf32> to vector<64xf32>
    %swap3A_46 = vector.shape_cast %add3A_42 : vector<64xf32> to vector<1x64xf32>
    tpu.vector_store %arg7[%swap3A, %swap3A_43], %swap3A_46 {strides = array<i32>} : memref<2x64xf32, #tpu.memory_space<vmem>>, vector<1x64xf32>,
    %get3A_47 = arith.constant 1 : index
    %get3A_48 = arith.constant 0 : index
    %get3A_49 = vector.load %arg7[%get3A_47, %get3A_48] : memref<2x64xf32, #tpu.memory_space<vmem>>, vector<1x64xf32>
    %get3A_50 = vector.shape_cast %get3A_49 : vector<1x64xf32> to vector<64xf32>
    %add3A_51 = arith.addf %get3A_50, %reduce_sum3A_35 : vector<64xf32>
    %swap3A_52 = arith.constant 1 : index
    %swap3A_53 = arith.constant 0 : index
    %swap3A_54 = vector.load %arg7[%swap3A_52, %swap3A_53] : memref<2x64xf32, #tpu.memory_space<vmem>>, vector<1x64xf32>
    %swap3A_55 = vector.shape_cast %swap3A_54 : vector<1x64xf32> to vector<64xf32>
    %swap3A_56 = vector.shape_cast %add3A_51 : vector<64xf32> to vector<1x64xf32>
    tpu.vector_store %arg7[%swap3A_52, %swap3A_53], %swap3A_56 {strides = array<i32>} : memref<2x64xf32, #tpu.memory_space<vmem>>, vector<1x64xf32>,
    return
  }
  func.func @transform_0(%arg0: i32) -> (i32, i32) {
    %c0_i32 = arith.constant 0 : i32
    %c0_i32_0 = arith.constant 0 : i32
    return %arg0, %c0_i32 : i32, i32
  }
  func.func @transform_1(%arg0: i32) -> (i32, i32) {
    %c0_i32 = arith.constant 0 : i32
    %c0_i32_0 = arith.constant 0 : i32
    return %arg0, %c0_i32 : i32, i32
  }
  func.func @transform_2(%arg0: i32) -> (i32, i32) {
    %c0_i32 = arith.constant 0 : i32
    %c0_i32_0 = arith.constant 0 : i32
    %c0_i32_1 = arith.constant 0 : i32
    return %c0_i32, %c0_i32_0 : i32, i32
  }
  func.func @transform_3(%arg0: i32) -> (i32, i32) {
    %c0_i32 = arith.constant 0 : i32
    %c0_i32_0 = arith.constant 0 : i32
    %c0_i32_1 = arith.constant 0 : i32
    return %c0_i32, %c0_i32_0 : i32, i32
  }
  func.func @transform_4(%arg0: i32) -> (i32, i32) {
    %c0_i32 = arith.constant 0 : i32
    %c0_i32_0 = arith.constant 0 : i32
    %c0_i32_1 = arith.constant 0 : i32
    return %c0_i32, %c0_i32_0 : i32, i32
  }
  func.func @transform_5(%arg0: i32) -> (i32, i32) {
    %c0_i32 = arith.constant 0 : i32
    %c0_i32_0 = arith.constant 0 : i32
    %c0_i32_1 = arith.constant 0 : i32
    return %c0_i32, %c0_i32_0 : i32, i32
  }
  func.func @transform_6(%arg0: i32) -> (i32, i32) {
    %c0_i32 = arith.constant 0 : i32
    %c0_i32_0 = arith.constant 0 : i32
    %c0_i32_1 = arith.constant 0 : i32
    return %c0_i32, %c0_i32_0 : i32, i32
  }
}

module attributes {stable_mosaic.version = 14 : i64} {
  func.func @_final_body(%arg0: i32, %arg1: memref<2048x128xf32, #tpu.memory_space<vmem>>, %arg2: memref<128x3xf32, #tpu.memory_space<vmem>>, %arg3: memref<128x32xf32, #tpu.memory_space<vmem>>, %arg4: memref<1x32xf32, #tpu.memory_space<vmem>>, %arg5: memref<1x32xf32, #tpu.memory_space<vmem>>, %arg6: memref<32x64xf32, #tpu.memory_space<vmem>>, %arg7: memref<1x64xf32, #tpu.memory_space<vmem>>, %arg8: memref<1x64xf32, #tpu.memory_space<vmem>>, %arg9: memref<128x64xf32, #tpu.memory_space<vmem>>) attributes {dimension_semantics = [#tpu.dimension_semantics<arbitrary>], iteration_bounds = array<i64: 108>, scalar_prefetch = 0 : i64, scratch_operands = 0 : i64, tpu.core_type = #tpu.core_type<tc>, window_params = [{transform_indices = @transform_0, window_bounds = array<i64: 2048, 128>}, {transform_indices = @transform_1, window_bounds = array<i64: 128, 3>}, {pipeline_mode = #tpu.pipeline_mode<synchronous>, transform_indices = @transform_2, window_bounds = array<i64: 128, 32>}, {pipeline_mode = #tpu.pipeline_mode<synchronous>, transform_indices = @transform_3, window_bounds = array<i64: 1, 32>}, {pipeline_mode = #tpu.pipeline_mode<synchronous>, transform_indices = @transform_4, window_bounds = array<i64: 1, 32>}, {pipeline_mode = #tpu.pipeline_mode<synchronous>, transform_indices = @transform_5, window_bounds = array<i64: 32, 64>}, {pipeline_mode = #tpu.pipeline_mode<synchronous>, transform_indices = @transform_6, window_bounds = array<i64: 1, 64>}, {pipeline_mode = #tpu.pipeline_mode<synchronous>, transform_indices = @transform_7, window_bounds = array<i64: 1, 64>}, {transform_indices = @transform_8, window_bounds = array<i64: 128, 64>}]} {
    %get3A = arith.constant 0 : index
    %get3A_0 = arith.constant 0 : index
    %get3A_1 = vector.load %arg1[%get3A, %get3A_0] : memref<2048x128xf32, #tpu.memory_space<vmem>>, vector<2048x128xf32>
    %get3A_2 = arith.constant 0 : index
    %get3A_3 = arith.constant 0 : index
    %get3A_4 = vector.load %arg3[%get3A_2, %get3A_3] : memref<128x32xf32, #tpu.memory_space<vmem>>, vector<128x32xf32>
    %dot_general3A = arith.constant dense<0.000000e+00> : vector<2048x32xf32>
    %dot_general3A_5 = tpu.matmul %get3A_1, %get3A_4, %dot_general3A {dimension_numbers = #tpu.dot_dimension_numbers<[1], [0], [0], [1], [0, 0, 1, 1], [], []>, transpose_lhs_hint = false} : vector<2048x128xf32>, vector<128x32xf32>, vector<2048x32xf32> -> vector<2048x32xf32>
    %reshape3A = vector.shape_cast %dot_general3A_5 : vector<2048x32xf32> to vector<128x16x32xf32>
    %get3A_6 = arith.constant 0 : index
    %get3A_7 = arith.constant 0 : index
    %get3A_8 = vector.load %arg2[%get3A_6, %get3A_7] : memref<128x3xf32, #tpu.memory_space<vmem>>, vector<128x3xf32>
    %slice3A = vector.extract_strided_slice %get3A_4 {offsets = [0, 0], sizes = [3, 32], strides = [1, 1]} : vector<128x32xf32> to vector<3x32xf32>
    %dot_general3A_9 = arith.constant dense<0.000000e+00> : vector<128x32xf32>
    %dot_general3A_10 = tpu.matmul %get3A_8, %slice3A, %dot_general3A_9 {dimension_numbers = #tpu.dot_dimension_numbers<[1], [0], [0], [1], [0, 0, 1, 1], [], []>, transpose_lhs_hint = false} : vector<128x3xf32>, vector<3x32xf32>, vector<128x32xf32> -> vector<128x32xf32>
    %broadcast_in_dim3A = vector.shape_cast %dot_general3A_10 : vector<128x32xf32> to vector<128x1x32xf32>
    %sub3A = vector.broadcast %broadcast_in_dim3A : vector<128x1x32xf32> to vector<128x16x32xf32>
    %sub3A_11 = arith.subf %reshape3A, %sub3A : vector<128x16x32xf32>
    %get3A_12 = arith.constant 0 : index
    %get3A_13 = arith.constant 0 : index
    %get3A_14 = vector.load %arg4[%get3A_12, %get3A_13] : memref<1x32xf32, #tpu.memory_space<vmem>>, vector<1x32xf32>
    %get3A_15 = vector.shape_cast %get3A_14 : vector<1x32xf32> to vector<32xf32>
    %broadcast_in_dim3A_16 = vector.shape_cast %get3A_15 : vector<32xf32> to vector<1x1x32xf32>
    %mul3A = vector.broadcast %broadcast_in_dim3A_16 : vector<1x1x32xf32> to vector<128x16x32xf32>
    %mul3A_17 = arith.mulf %sub3A_11, %mul3A : vector<128x16x32xf32>
    %get3A_18 = arith.constant 0 : index
    %get3A_19 = arith.constant 0 : index
    %get3A_20 = vector.load %arg5[%get3A_18, %get3A_19] : memref<1x32xf32, #tpu.memory_space<vmem>>, vector<1x32xf32>
    %get3A_21 = vector.shape_cast %get3A_20 : vector<1x32xf32> to vector<32xf32>
    %broadcast_in_dim3A_22 = vector.shape_cast %get3A_21 : vector<32xf32> to vector<1x1x32xf32>
    %add3A = vector.broadcast %broadcast_in_dim3A_22 : vector<1x1x32xf32> to vector<128x16x32xf32>
    %add3A_23 = arith.addf %mul3A_17, %add3A : vector<128x16x32xf32>
    %max3A = arith.constant 0.000000e+00 : f32
    %max3A_24 = vector.broadcast %max3A : f32 to vector<128x16x32xf32>
    %max3A_25 = arith.maximumf %add3A_23, %max3A_24 : vector<128x16x32xf32>
    %reshape3A_26 = vector.shape_cast %max3A_25 : vector<128x16x32xf32> to vector<2048x32xf32>
    %get3A_27 = arith.constant 0 : index
    %get3A_28 = arith.constant 0 : index
    %get3A_29 = vector.load %arg6[%get3A_27, %get3A_28] : memref<32x64xf32, #tpu.memory_space<vmem>>, vector<32x64xf32>
    %dot_general3A_30 = arith.constant dense<0.000000e+00> : vector<2048x64xf32>
    %dot_general3A_31 = tpu.matmul %reshape3A_26, %get3A_29, %dot_general3A_30 {dimension_numbers = #tpu.dot_dimension_numbers<[1], [0], [0], [1], [0, 0, 1, 1], [], []>, transpose_lhs_hint = false} : vector<2048x32xf32>, vector<32x64xf32>, vector<2048x64xf32> -> vector<2048x64xf32>
    %get3A_32 = arith.constant 0 : index
    %get3A_33 = arith.constant 0 : index
    %get3A_34 = vector.load %arg7[%get3A_32, %get3A_33] : memref<1x64xf32, #tpu.memory_space<vmem>>, vector<1x64xf32>
    %get3A_35 = vector.shape_cast %get3A_34 : vector<1x64xf32> to vector<64xf32>
    %broadcast_in_dim3A_36 = vector.shape_cast %get3A_35 : vector<64xf32> to vector<1x64xf32>
    %mul3A_37 = vector.broadcast %broadcast_in_dim3A_36 : vector<1x64xf32> to vector<2048x64xf32>
    %mul3A_38 = arith.mulf %dot_general3A_31, %mul3A_37 : vector<2048x64xf32>
    %get3A_39 = arith.constant 0 : index
    %get3A_40 = arith.constant 0 : index
    %get3A_41 = vector.load %arg8[%get3A_39, %get3A_40] : memref<1x64xf32, #tpu.memory_space<vmem>>, vector<1x64xf32>
    %get3A_42 = vector.shape_cast %get3A_41 : vector<1x64xf32> to vector<64xf32>
    %broadcast_in_dim3A_43 = vector.shape_cast %get3A_42 : vector<64xf32> to vector<1x64xf32>
    %add3A_44 = vector.broadcast %broadcast_in_dim3A_43 : vector<1x64xf32> to vector<2048x64xf32>
    %add3A_45 = arith.addf %mul3A_38, %add3A_44 : vector<2048x64xf32>
    %max3A_46 = arith.constant 0.000000e+00 : f32
    %max3A_47 = vector.broadcast %max3A_46 : f32 to vector<2048x64xf32>
    %max3A_48 = arith.maximumf %add3A_45, %max3A_47 : vector<2048x64xf32>
    %reshape3A_49 = vector.shape_cast %max3A_48 : vector<2048x64xf32> to vector<128x16x64xf32>
    %reduce_max3A = arith.constant dense<0xFF800000> : vector<128x64xf32>
    %reduce_max3A_50 = vector.multi_reduction <maximumf>, %reshape3A_49, %reduce_max3A [1] : vector<128x16x64xf32> to vector<128x64xf32>
    %swap3A = arith.constant 0 : index
    %swap3A_51 = arith.constant 0 : index
    %swap3A_52 = vector.load %arg9[%swap3A, %swap3A_51] : memref<128x64xf32, #tpu.memory_space<vmem>>, vector<128x64xf32>
    tpu.vector_store %arg9[%swap3A, %swap3A_51], %reduce_max3A_50 {strides = array<i32>} : memref<128x64xf32, #tpu.memory_space<vmem>>, vector<128x64xf32>,
    return
  }
  func.func @transform_0(%arg0: i32) -> (i32, i32) {
    %c0_i32 = arith.constant 0 : i32
    %c0_i32_0 = arith.constant 0 : i32
    return %arg0, %c0_i32 : i32, i32
  }
  func.func @transform_1(%arg0: i32) -> (i32, i32) {
    %c0_i32 = arith.constant 0 : i32
    %c0_i32_0 = arith.constant 0 : i32
    return %arg0, %c0_i32 : i32, i32
  }
  func.func @transform_2(%arg0: i32) -> (i32, i32) {
    %c0_i32 = arith.constant 0 : i32
    %c0_i32_0 = arith.constant 0 : i32
    %c0_i32_1 = arith.constant 0 : i32
    return %c0_i32, %c0_i32_0 : i32, i32
  }
  func.func @transform_3(%arg0: i32) -> (i32, i32) {
    %c0_i32 = arith.constant 0 : i32
    %c0_i32_0 = arith.constant 0 : i32
    %c0_i32_1 = arith.constant 0 : i32
    return %c0_i32, %c0_i32_0 : i32, i32
  }
  func.func @transform_4(%arg0: i32) -> (i32, i32) {
    %c0_i32 = arith.constant 0 : i32
    %c0_i32_0 = arith.constant 0 : i32
    %c0_i32_1 = arith.constant 0 : i32
    return %c0_i32, %c0_i32_0 : i32, i32
  }
  func.func @transform_5(%arg0: i32) -> (i32, i32) {
    %c0_i32 = arith.constant 0 : i32
    %c0_i32_0 = arith.constant 0 : i32
    %c0_i32_1 = arith.constant 0 : i32
    return %c0_i32, %c0_i32_0 : i32, i32
  }
  func.func @transform_6(%arg0: i32) -> (i32, i32) {
    %c0_i32 = arith.constant 0 : i32
    %c0_i32_0 = arith.constant 0 : i32
    %c0_i32_1 = arith.constant 0 : i32
    return %c0_i32, %c0_i32_0 : i32, i32
  }
  func.func @transform_7(%arg0: i32) -> (i32, i32) {
    %c0_i32 = arith.constant 0 : i32
    %c0_i32_0 = arith.constant 0 : i32
    %c0_i32_1 = arith.constant 0 : i32
    return %c0_i32, %c0_i32_0 : i32, i32
  }
  func.func @transform_8(%arg0: i32) -> (i32, i32) {
    %c0_i32 = arith.constant 0 : i32
    %c0_i32_0 = arith.constant 0 : i32
    return %arg0, %c0_i32 : i32, i32
  }
}

module attributes {stable_mosaic.version = 14 : i64} {
  func.func @_stats1_body(%arg0: i32, %arg1: memref<4096x128xf32, #tpu.memory_space<vmem>>, %arg2: memref<128x3xf32, #tpu.memory_space<vmem>>, %arg3: memref<128x64xf32, #tpu.memory_space<vmem>>, %arg4: memref<2x64xf32, #tpu.memory_space<vmem>>) attributes {dimension_semantics = [#tpu.dimension_semantics<arbitrary>], iteration_bounds = array<i64: 108>, scalar_prefetch = 0 : i64, scratch_operands = 0 : i64, tpu.core_type = #tpu.core_type<tc>, window_params = [{transform_indices = @transform_0, window_bounds = array<i64: 4096, 128>}, {transform_indices = @transform_1, window_bounds = array<i64: 128, 3>}, {pipeline_mode = #tpu.pipeline_mode<synchronous>, transform_indices = @transform_2, window_bounds = array<i64: 128, 64>}, {pipeline_mode = #tpu.pipeline_mode<synchronous>, transform_indices = @transform_3, window_bounds = array<i64: 2, 64>}]} {
    %get3A = arith.constant 0 : index
    %get3A_0 = arith.constant 0 : index
    %get3A_1 = vector.load %arg1[%get3A, %get3A_0] : memref<4096x128xf32, #tpu.memory_space<vmem>>, vector<4096x128xf32>
    %get3A_2 = arith.constant 0 : index
    %get3A_3 = arith.constant 0 : index
    %get3A_4 = vector.load %arg3[%get3A_2, %get3A_3] : memref<128x64xf32, #tpu.memory_space<vmem>>, vector<128x64xf32>
    %dot_general3A = arith.constant dense<0.000000e+00> : vector<4096x64xf32>
    %dot_general3A_5 = tpu.matmul %get3A_1, %get3A_4, %dot_general3A {dimension_numbers = #tpu.dot_dimension_numbers<[1], [0], [0], [1], [0, 0, 1, 1], [], []>, transpose_lhs_hint = false} : vector<4096x128xf32>, vector<128x64xf32>, vector<4096x64xf32> -> vector<4096x64xf32>
    %reshape3A = vector.shape_cast %dot_general3A_5 : vector<4096x64xf32> to vector<128x32x64xf32>
    %get3A_6 = arith.constant 0 : index
    %get3A_7 = arith.constant 0 : index
    %get3A_8 = vector.load %arg2[%get3A_6, %get3A_7] : memref<128x3xf32, #tpu.memory_space<vmem>>, vector<128x3xf32>
    %slice3A = vector.extract_strided_slice %get3A_4 {offsets = [0, 0], sizes = [3, 64], strides = [1, 1]} : vector<128x64xf32> to vector<3x64xf32>
    %dot_general3A_9 = arith.constant dense<0.000000e+00> : vector<128x64xf32>
    %dot_general3A_10 = tpu.matmul %get3A_8, %slice3A, %dot_general3A_9 {dimension_numbers = #tpu.dot_dimension_numbers<[1], [0], [0], [1], [0, 0, 1, 1], [], []>, transpose_lhs_hint = false} : vector<128x3xf32>, vector<3x64xf32>, vector<128x64xf32> -> vector<128x64xf32>
    %broadcast_in_dim3A = vector.shape_cast %dot_general3A_10 : vector<128x64xf32> to vector<128x1x64xf32>
    %sub3A = vector.broadcast %broadcast_in_dim3A : vector<128x1x64xf32> to vector<128x32x64xf32>
    %sub3A_11 = arith.subf %reshape3A, %sub3A : vector<128x32x64xf32>
    %reduce_sum3A = arith.constant dense<0.000000e+00> : vector<64xf32>
    %reduce_sum3A_12 = vector.multi_reduction <add>, %sub3A_11, %reduce_sum3A [0, 1] : vector<128x32x64xf32> to vector<64xf32>
    %mul3A = arith.mulf %sub3A_11, %sub3A_11 : vector<128x32x64xf32>
    %reduce_sum3A_13 = arith.constant dense<0.000000e+00> : vector<64xf32>
    %reduce_sum3A_14 = vector.multi_reduction <add>, %mul3A, %reduce_sum3A_13 [0, 1] : vector<128x32x64xf32> to vector<64xf32>
    %eq3A = arith.constant 0 : i32
    %eq3A_15 = arith.cmpi eq, %arg0, %eq3A : i32
    %convert_element_type3A = arith.extui %eq3A_15 : i1 to i32
    %cond3A = arith.constant 0 : i32
    %cond3A_16 = arith.cmpi ne, %convert_element_type3A, %cond3A : i32
    scf.if %cond3A_16 {
      %broadcast_in_dim3A_35 = arith.constant 0.000000e+00 : f32
      %broadcast_in_dim3A_36 = vector.broadcast %broadcast_in_dim3A_35 : f32 to vector<2x64xf32>
      %swap3A_37 = arith.constant 0 : index
      %swap3A_38 = arith.constant 0 : index
      %swap3A_39 = vector.load %arg4[%swap3A_37, %swap3A_38] : memref<2x64xf32, #tpu.memory_space<vmem>>, vector<2x64xf32>
      tpu.vector_store %arg4[%swap3A_37, %swap3A_38], %broadcast_in_dim3A_36 {strides = array<i32>} : memref<2x64xf32, #tpu.memory_space<vmem>>, vector<2x64xf32>,
    } else {
    }
    %get3A_17 = arith.constant 0 : index
    %get3A_18 = arith.constant 0 : index
    %get3A_19 = vector.load %arg4[%get3A_17, %get3A_18] : memref<2x64xf32, #tpu.memory_space<vmem>>, vector<1x64xf32>
    %get3A_20 = vector.shape_cast %get3A_19 : vector<1x64xf32> to vector<64xf32>
    %add3A = arith.addf %get3A_20, %reduce_sum3A_12 : vector<64xf32>
    %swap3A = arith.constant 0 : index
    %swap3A_21 = arith.constant 0 : index
    %swap3A_22 = vector.load %arg4[%swap3A, %swap3A_21] : memref<2x64xf32, #tpu.memory_space<vmem>>, vector<1x64xf32>
    %swap3A_23 = vector.shape_cast %swap3A_22 : vector<1x64xf32> to vector<64xf32>
    %swap3A_24 = vector.shape_cast %add3A : vector<64xf32> to vector<1x64xf32>
    tpu.vector_store %arg4[%swap3A, %swap3A_21], %swap3A_24 {strides = array<i32>} : memref<2x64xf32, #tpu.memory_space<vmem>>, vector<1x64xf32>,
    %get3A_25 = arith.constant 1 : index
    %get3A_26 = arith.constant 0 : index
    %get3A_27 = vector.load %arg4[%get3A_25, %get3A_26] : memref<2x64xf32, #tpu.memory_space<vmem>>, vector<1x64xf32>
    %get3A_28 = vector.shape_cast %get3A_27 : vector<1x64xf32> to vector<64xf32>
    %add3A_29 = arith.addf %get3A_28, %reduce_sum3A_14 : vector<64xf32>
    %swap3A_30 = arith.constant 1 : index
    %swap3A_31 = arith.constant 0 : index
    %swap3A_32 = vector.load %arg4[%swap3A_30, %swap3A_31] : memref<2x64xf32, #tpu.memory_space<vmem>>, vector<1x64xf32>
    %swap3A_33 = vector.shape_cast %swap3A_32 : vector<1x64xf32> to vector<64xf32>
    %swap3A_34 = vector.shape_cast %add3A_29 : vector<64xf32> to vector<1x64xf32>
    tpu.vector_store %arg4[%swap3A_30, %swap3A_31], %swap3A_34 {strides = array<i32>} : memref<2x64xf32, #tpu.memory_space<vmem>>, vector<1x64xf32>,
    return
  }
  func.func @transform_0(%arg0: i32) -> (i32, i32) {
    %c0_i32 = arith.constant 0 : i32
    %c0_i32_0 = arith.constant 0 : i32
    return %arg0, %c0_i32 : i32, i32
  }
  func.func @transform_1(%arg0: i32) -> (i32, i32) {
    %c0_i32 = arith.constant 0 : i32
    %c0_i32_0 = arith.constant 0 : i32
    return %arg0, %c0_i32 : i32, i32
  }
  func.func @transform_2(%arg0: i32) -> (i32, i32) {
    %c0_i32 = arith.constant 0 : i32
    %c0_i32_0 = arith.constant 0 : i32
    %c0_i32_1 = arith.constant 0 : i32
    return %c0_i32, %c0_i32_0 : i32, i32
  }
  func.func @transform_3(%arg0: i32) -> (i32, i32) {
    %c0_i32 = arith.constant 0 : i32
    %c0_i32_0 = arith.constant 0 : i32
    %c0_i32_1 = arith.constant 0 : i32
    return %c0_i32, %c0_i32_0 : i32, i32
  }
}

module attributes {stable_mosaic.version = 14 : i64} {
  func.func @_stats2_body(%arg0: i32, %arg1: memref<4096x128xf32, #tpu.memory_space<vmem>>, %arg2: memref<128x3xf32, #tpu.memory_space<vmem>>, %arg3: memref<128x64xf32, #tpu.memory_space<vmem>>, %arg4: memref<1x64xf32, #tpu.memory_space<vmem>>, %arg5: memref<1x64xf32, #tpu.memory_space<vmem>>, %arg6: memref<64x64xf32, #tpu.memory_space<vmem>>, %arg7: memref<2x64xf32, #tpu.memory_space<vmem>>) attributes {dimension_semantics = [#tpu.dimension_semantics<arbitrary>], iteration_bounds = array<i64: 108>, scalar_prefetch = 0 : i64, scratch_operands = 0 : i64, tpu.core_type = #tpu.core_type<tc>, window_params = [{transform_indices = @transform_0, window_bounds = array<i64: 4096, 128>}, {transform_indices = @transform_1, window_bounds = array<i64: 128, 3>}, {pipeline_mode = #tpu.pipeline_mode<synchronous>, transform_indices = @transform_2, window_bounds = array<i64: 128, 64>}, {pipeline_mode = #tpu.pipeline_mode<synchronous>, transform_indices = @transform_3, window_bounds = array<i64: 1, 64>}, {pipeline_mode = #tpu.pipeline_mode<synchronous>, transform_indices = @transform_4, window_bounds = array<i64: 1, 64>}, {pipeline_mode = #tpu.pipeline_mode<synchronous>, transform_indices = @transform_5, window_bounds = array<i64: 64, 64>}, {pipeline_mode = #tpu.pipeline_mode<synchronous>, transform_indices = @transform_6, window_bounds = array<i64: 2, 64>}]} {
    %get3A = arith.constant 0 : index
    %get3A_0 = arith.constant 0 : index
    %get3A_1 = vector.load %arg1[%get3A, %get3A_0] : memref<4096x128xf32, #tpu.memory_space<vmem>>, vector<4096x128xf32>
    %get3A_2 = arith.constant 0 : index
    %get3A_3 = arith.constant 0 : index
    %get3A_4 = vector.load %arg3[%get3A_2, %get3A_3] : memref<128x64xf32, #tpu.memory_space<vmem>>, vector<128x64xf32>
    %dot_general3A = arith.constant dense<0.000000e+00> : vector<4096x64xf32>
    %dot_general3A_5 = tpu.matmul %get3A_1, %get3A_4, %dot_general3A {dimension_numbers = #tpu.dot_dimension_numbers<[1], [0], [0], [1], [0, 0, 1, 1], [], []>, transpose_lhs_hint = false} : vector<4096x128xf32>, vector<128x64xf32>, vector<4096x64xf32> -> vector<4096x64xf32>
    %reshape3A = vector.shape_cast %dot_general3A_5 : vector<4096x64xf32> to vector<128x32x64xf32>
    %get3A_6 = arith.constant 0 : index
    %get3A_7 = arith.constant 0 : index
    %get3A_8 = vector.load %arg2[%get3A_6, %get3A_7] : memref<128x3xf32, #tpu.memory_space<vmem>>, vector<128x3xf32>
    %slice3A = vector.extract_strided_slice %get3A_4 {offsets = [0, 0], sizes = [3, 64], strides = [1, 1]} : vector<128x64xf32> to vector<3x64xf32>
    %dot_general3A_9 = arith.constant dense<0.000000e+00> : vector<128x64xf32>
    %dot_general3A_10 = tpu.matmul %get3A_8, %slice3A, %dot_general3A_9 {dimension_numbers = #tpu.dot_dimension_numbers<[1], [0], [0], [1], [0, 0, 1, 1], [], []>, transpose_lhs_hint = false} : vector<128x3xf32>, vector<3x64xf32>, vector<128x64xf32> -> vector<128x64xf32>
    %broadcast_in_dim3A = vector.shape_cast %dot_general3A_10 : vector<128x64xf32> to vector<128x1x64xf32>
    %sub3A = vector.broadcast %broadcast_in_dim3A : vector<128x1x64xf32> to vector<128x32x64xf32>
    %sub3A_11 = arith.subf %reshape3A, %sub3A : vector<128x32x64xf32>
    %get3A_12 = arith.constant 0 : index
    %get3A_13 = arith.constant 0 : index
    %get3A_14 = vector.load %arg4[%get3A_12, %get3A_13] : memref<1x64xf32, #tpu.memory_space<vmem>>, vector<1x64xf32>
    %get3A_15 = vector.shape_cast %get3A_14 : vector<1x64xf32> to vector<64xf32>
    %broadcast_in_dim3A_16 = vector.shape_cast %get3A_15 : vector<64xf32> to vector<1x1x64xf32>
    %mul3A = vector.broadcast %broadcast_in_dim3A_16 : vector<1x1x64xf32> to vector<128x32x64xf32>
    %mul3A_17 = arith.mulf %sub3A_11, %mul3A : vector<128x32x64xf32>
    %get3A_18 = arith.constant 0 : index
    %get3A_19 = arith.constant 0 : index
    %get3A_20 = vector.load %arg5[%get3A_18, %get3A_19] : memref<1x64xf32, #tpu.memory_space<vmem>>, vector<1x64xf32>
    %get3A_21 = vector.shape_cast %get3A_20 : vector<1x64xf32> to vector<64xf32>
    %broadcast_in_dim3A_22 = vector.shape_cast %get3A_21 : vector<64xf32> to vector<1x1x64xf32>
    %add3A = vector.broadcast %broadcast_in_dim3A_22 : vector<1x1x64xf32> to vector<128x32x64xf32>
    %add3A_23 = arith.addf %mul3A_17, %add3A : vector<128x32x64xf32>
    %max3A = arith.constant 0.000000e+00 : f32
    %max3A_24 = vector.broadcast %max3A : f32 to vector<128x32x64xf32>
    %max3A_25 = arith.maximumf %add3A_23, %max3A_24 : vector<128x32x64xf32>
    %reshape3A_26 = vector.shape_cast %max3A_25 : vector<128x32x64xf32> to vector<4096x64xf32>
    %get3A_27 = arith.constant 0 : index
    %get3A_28 = arith.constant 0 : index
    %get3A_29 = vector.load %arg6[%get3A_27, %get3A_28] : memref<64x64xf32, #tpu.memory_space<vmem>>, vector<64x64xf32>
    %dot_general3A_30 = arith.constant dense<0.000000e+00> : vector<4096x64xf32>
    %dot_general3A_31 = tpu.matmul %reshape3A_26, %get3A_29, %dot_general3A_30 {dimension_numbers = #tpu.dot_dimension_numbers<[1], [0], [0], [1], [0, 0, 1, 1], [], []>, transpose_lhs_hint = false} : vector<4096x64xf32>, vector<64x64xf32>, vector<4096x64xf32> -> vector<4096x64xf32>
    %reduce_sum3A = arith.constant dense<0.000000e+00> : vector<64xf32>
    %reduce_sum3A_32 = vector.multi_reduction <add>, %dot_general3A_31, %reduce_sum3A [0] : vector<4096x64xf32> to vector<64xf32>
    %mul3A_33 = arith.mulf %dot_general3A_31, %dot_general3A_31 : vector<4096x64xf32>
    %reduce_sum3A_34 = arith.constant dense<0.000000e+00> : vector<64xf32>
    %reduce_sum3A_35 = vector.multi_reduction <add>, %mul3A_33, %reduce_sum3A_34 [0] : vector<4096x64xf32> to vector<64xf32>
    %eq3A = arith.constant 0 : i32
    %eq3A_36 = arith.cmpi eq, %arg0, %eq3A : i32
    %convert_element_type3A = arith.extui %eq3A_36 : i1 to i32
    %cond3A = arith.constant 0 : i32
    %cond3A_37 = arith.cmpi ne, %convert_element_type3A, %cond3A : i32
    scf.if %cond3A_37 {
      %broadcast_in_dim3A_57 = arith.constant 0.000000e+00 : f32
      %broadcast_in_dim3A_58 = vector.broadcast %broadcast_in_dim3A_57 : f32 to vector<2x64xf32>
      %swap3A_59 = arith.constant 0 : index
      %swap3A_60 = arith.constant 0 : index
      %swap3A_61 = vector.load %arg7[%swap3A_59, %swap3A_60] : memref<2x64xf32, #tpu.memory_space<vmem>>, vector<2x64xf32>
      tpu.vector_store %arg7[%swap3A_59, %swap3A_60], %broadcast_in_dim3A_58 {strides = array<i32>} : memref<2x64xf32, #tpu.memory_space<vmem>>, vector<2x64xf32>,
    } else {
    }
    %get3A_38 = arith.constant 0 : index
    %get3A_39 = arith.constant 0 : index
    %get3A_40 = vector.load %arg7[%get3A_38, %get3A_39] : memref<2x64xf32, #tpu.memory_space<vmem>>, vector<1x64xf32>
    %get3A_41 = vector.shape_cast %get3A_40 : vector<1x64xf32> to vector<64xf32>
    %add3A_42 = arith.addf %get3A_41, %reduce_sum3A_32 : vector<64xf32>
    %swap3A = arith.constant 0 : index
    %swap3A_43 = arith.constant 0 : index
    %swap3A_44 = vector.load %arg7[%swap3A, %swap3A_43] : memref<2x64xf32, #tpu.memory_space<vmem>>, vector<1x64xf32>
    %swap3A_45 = vector.shape_cast %swap3A_44 : vector<1x64xf32> to vector<64xf32>
    %swap3A_46 = vector.shape_cast %add3A_42 : vector<64xf32> to vector<1x64xf32>
    tpu.vector_store %arg7[%swap3A, %swap3A_43], %swap3A_46 {strides = array<i32>} : memref<2x64xf32, #tpu.memory_space<vmem>>, vector<1x64xf32>,
    %get3A_47 = arith.constant 1 : index
    %get3A_48 = arith.constant 0 : index
    %get3A_49 = vector.load %arg7[%get3A_47, %get3A_48] : memref<2x64xf32, #tpu.memory_space<vmem>>, vector<1x64xf32>
    %get3A_50 = vector.shape_cast %get3A_49 : vector<1x64xf32> to vector<64xf32>
    %add3A_51 = arith.addf %get3A_50, %reduce_sum3A_35 : vector<64xf32>
    %swap3A_52 = arith.constant 1 : index
    %swap3A_53 = arith.constant 0 : index
    %swap3A_54 = vector.load %arg7[%swap3A_52, %swap3A_53] : memref<2x64xf32, #tpu.memory_space<vmem>>, vector<1x64xf32>
    %swap3A_55 = vector.shape_cast %swap3A_54 : vector<1x64xf32> to vector<64xf32>
    %swap3A_56 = vector.shape_cast %add3A_51 : vector<64xf32> to vector<1x64xf32>
    tpu.vector_store %arg7[%swap3A_52, %swap3A_53], %swap3A_56 {strides = array<i32>} : memref<2x64xf32, #tpu.memory_space<vmem>>, vector<1x64xf32>,
    return
  }
  func.func @transform_0(%arg0: i32) -> (i32, i32) {
    %c0_i32 = arith.constant 0 : i32
    %c0_i32_0 = arith.constant 0 : i32
    return %arg0, %c0_i32 : i32, i32
  }
  func.func @transform_1(%arg0: i32) -> (i32, i32) {
    %c0_i32 = arith.constant 0 : i32
    %c0_i32_0 = arith.constant 0 : i32
    return %arg0, %c0_i32 : i32, i32
  }
  func.func @transform_2(%arg0: i32) -> (i32, i32) {
    %c0_i32 = arith.constant 0 : i32
    %c0_i32_0 = arith.constant 0 : i32
    %c0_i32_1 = arith.constant 0 : i32
    return %c0_i32, %c0_i32_0 : i32, i32
  }
  func.func @transform_3(%arg0: i32) -> (i32, i32) {
    %c0_i32 = arith.constant 0 : i32
    %c0_i32_0 = arith.constant 0 : i32
    %c0_i32_1 = arith.constant 0 : i32
    return %c0_i32, %c0_i32_0 : i32, i32
  }
  func.func @transform_4(%arg0: i32) -> (i32, i32) {
    %c0_i32 = arith.constant 0 : i32
    %c0_i32_0 = arith.constant 0 : i32
    %c0_i32_1 = arith.constant 0 : i32
    return %c0_i32, %c0_i32_0 : i32, i32
  }
  func.func @transform_5(%arg0: i32) -> (i32, i32) {
    %c0_i32 = arith.constant 0 : i32
    %c0_i32_0 = arith.constant 0 : i32
    %c0_i32_1 = arith.constant 0 : i32
    return %c0_i32, %c0_i32_0 : i32, i32
  }
  func.func @transform_6(%arg0: i32) -> (i32, i32) {
    %c0_i32 = arith.constant 0 : i32
    %c0_i32_0 = arith.constant 0 : i32
    %c0_i32_1 = arith.constant 0 : i32
    return %c0_i32, %c0_i32_0 : i32, i32
  }
}

module attributes {stable_mosaic.version = 14 : i64} {
  func.func @_final_body(%arg0: i32, %arg1: memref<4096x128xf32, #tpu.memory_space<vmem>>, %arg2: memref<128x3xf32, #tpu.memory_space<vmem>>, %arg3: memref<128x64xf32, #tpu.memory_space<vmem>>, %arg4: memref<1x64xf32, #tpu.memory_space<vmem>>, %arg5: memref<1x64xf32, #tpu.memory_space<vmem>>, %arg6: memref<64x64xf32, #tpu.memory_space<vmem>>, %arg7: memref<1x64xf32, #tpu.memory_space<vmem>>, %arg8: memref<1x64xf32, #tpu.memory_space<vmem>>, %arg9: memref<128x64xf32, #tpu.memory_space<vmem>>) attributes {dimension_semantics = [#tpu.dimension_semantics<arbitrary>], iteration_bounds = array<i64: 108>, scalar_prefetch = 0 : i64, scratch_operands = 0 : i64, tpu.core_type = #tpu.core_type<tc>, window_params = [{transform_indices = @transform_0, window_bounds = array<i64: 4096, 128>}, {transform_indices = @transform_1, window_bounds = array<i64: 128, 3>}, {pipeline_mode = #tpu.pipeline_mode<synchronous>, transform_indices = @transform_2, window_bounds = array<i64: 128, 64>}, {pipeline_mode = #tpu.pipeline_mode<synchronous>, transform_indices = @transform_3, window_bounds = array<i64: 1, 64>}, {pipeline_mode = #tpu.pipeline_mode<synchronous>, transform_indices = @transform_4, window_bounds = array<i64: 1, 64>}, {pipeline_mode = #tpu.pipeline_mode<synchronous>, transform_indices = @transform_5, window_bounds = array<i64: 64, 64>}, {pipeline_mode = #tpu.pipeline_mode<synchronous>, transform_indices = @transform_6, window_bounds = array<i64: 1, 64>}, {pipeline_mode = #tpu.pipeline_mode<synchronous>, transform_indices = @transform_7, window_bounds = array<i64: 1, 64>}, {transform_indices = @transform_8, window_bounds = array<i64: 128, 64>}]} {
    %get3A = arith.constant 0 : index
    %get3A_0 = arith.constant 0 : index
    %get3A_1 = vector.load %arg1[%get3A, %get3A_0] : memref<4096x128xf32, #tpu.memory_space<vmem>>, vector<4096x128xf32>
    %get3A_2 = arith.constant 0 : index
    %get3A_3 = arith.constant 0 : index
    %get3A_4 = vector.load %arg3[%get3A_2, %get3A_3] : memref<128x64xf32, #tpu.memory_space<vmem>>, vector<128x64xf32>
    %dot_general3A = arith.constant dense<0.000000e+00> : vector<4096x64xf32>
    %dot_general3A_5 = tpu.matmul %get3A_1, %get3A_4, %dot_general3A {dimension_numbers = #tpu.dot_dimension_numbers<[1], [0], [0], [1], [0, 0, 1, 1], [], []>, transpose_lhs_hint = false} : vector<4096x128xf32>, vector<128x64xf32>, vector<4096x64xf32> -> vector<4096x64xf32>
    %reshape3A = vector.shape_cast %dot_general3A_5 : vector<4096x64xf32> to vector<128x32x64xf32>
    %get3A_6 = arith.constant 0 : index
    %get3A_7 = arith.constant 0 : index
    %get3A_8 = vector.load %arg2[%get3A_6, %get3A_7] : memref<128x3xf32, #tpu.memory_space<vmem>>, vector<128x3xf32>
    %slice3A = vector.extract_strided_slice %get3A_4 {offsets = [0, 0], sizes = [3, 64], strides = [1, 1]} : vector<128x64xf32> to vector<3x64xf32>
    %dot_general3A_9 = arith.constant dense<0.000000e+00> : vector<128x64xf32>
    %dot_general3A_10 = tpu.matmul %get3A_8, %slice3A, %dot_general3A_9 {dimension_numbers = #tpu.dot_dimension_numbers<[1], [0], [0], [1], [0, 0, 1, 1], [], []>, transpose_lhs_hint = false} : vector<128x3xf32>, vector<3x64xf32>, vector<128x64xf32> -> vector<128x64xf32>
    %broadcast_in_dim3A = vector.shape_cast %dot_general3A_10 : vector<128x64xf32> to vector<128x1x64xf32>
    %sub3A = vector.broadcast %broadcast_in_dim3A : vector<128x1x64xf32> to vector<128x32x64xf32>
    %sub3A_11 = arith.subf %reshape3A, %sub3A : vector<128x32x64xf32>
    %get3A_12 = arith.constant 0 : index
    %get3A_13 = arith.constant 0 : index
    %get3A_14 = vector.load %arg4[%get3A_12, %get3A_13] : memref<1x64xf32, #tpu.memory_space<vmem>>, vector<1x64xf32>
    %get3A_15 = vector.shape_cast %get3A_14 : vector<1x64xf32> to vector<64xf32>
    %broadcast_in_dim3A_16 = vector.shape_cast %get3A_15 : vector<64xf32> to vector<1x1x64xf32>
    %mul3A = vector.broadcast %broadcast_in_dim3A_16 : vector<1x1x64xf32> to vector<128x32x64xf32>
    %mul3A_17 = arith.mulf %sub3A_11, %mul3A : vector<128x32x64xf32>
    %get3A_18 = arith.constant 0 : index
    %get3A_19 = arith.constant 0 : index
    %get3A_20 = vector.load %arg5[%get3A_18, %get3A_19] : memref<1x64xf32, #tpu.memory_space<vmem>>, vector<1x64xf32>
    %get3A_21 = vector.shape_cast %get3A_20 : vector<1x64xf32> to vector<64xf32>
    %broadcast_in_dim3A_22 = vector.shape_cast %get3A_21 : vector<64xf32> to vector<1x1x64xf32>
    %add3A = vector.broadcast %broadcast_in_dim3A_22 : vector<1x1x64xf32> to vector<128x32x64xf32>
    %add3A_23 = arith.addf %mul3A_17, %add3A : vector<128x32x64xf32>
    %max3A = arith.constant 0.000000e+00 : f32
    %max3A_24 = vector.broadcast %max3A : f32 to vector<128x32x64xf32>
    %max3A_25 = arith.maximumf %add3A_23, %max3A_24 : vector<128x32x64xf32>
    %reshape3A_26 = vector.shape_cast %max3A_25 : vector<128x32x64xf32> to vector<4096x64xf32>
    %get3A_27 = arith.constant 0 : index
    %get3A_28 = arith.constant 0 : index
    %get3A_29 = vector.load %arg6[%get3A_27, %get3A_28] : memref<64x64xf32, #tpu.memory_space<vmem>>, vector<64x64xf32>
    %dot_general3A_30 = arith.constant dense<0.000000e+00> : vector<4096x64xf32>
    %dot_general3A_31 = tpu.matmul %reshape3A_26, %get3A_29, %dot_general3A_30 {dimension_numbers = #tpu.dot_dimension_numbers<[1], [0], [0], [1], [0, 0, 1, 1], [], []>, transpose_lhs_hint = false} : vector<4096x64xf32>, vector<64x64xf32>, vector<4096x64xf32> -> vector<4096x64xf32>
    %get3A_32 = arith.constant 0 : index
    %get3A_33 = arith.constant 0 : index
    %get3A_34 = vector.load %arg7[%get3A_32, %get3A_33] : memref<1x64xf32, #tpu.memory_space<vmem>>, vector<1x64xf32>
    %get3A_35 = vector.shape_cast %get3A_34 : vector<1x64xf32> to vector<64xf32>
    %broadcast_in_dim3A_36 = vector.shape_cast %get3A_35 : vector<64xf32> to vector<1x64xf32>
    %mul3A_37 = vector.broadcast %broadcast_in_dim3A_36 : vector<1x64xf32> to vector<4096x64xf32>
    %mul3A_38 = arith.mulf %dot_general3A_31, %mul3A_37 : vector<4096x64xf32>
    %get3A_39 = arith.constant 0 : index
    %get3A_40 = arith.constant 0 : index
    %get3A_41 = vector.load %arg8[%get3A_39, %get3A_40] : memref<1x64xf32, #tpu.memory_space<vmem>>, vector<1x64xf32>
    %get3A_42 = vector.shape_cast %get3A_41 : vector<1x64xf32> to vector<64xf32>
    %broadcast_in_dim3A_43 = vector.shape_cast %get3A_42 : vector<64xf32> to vector<1x64xf32>
    %add3A_44 = vector.broadcast %broadcast_in_dim3A_43 : vector<1x64xf32> to vector<4096x64xf32>
    %add3A_45 = arith.addf %mul3A_38, %add3A_44 : vector<4096x64xf32>
    %max3A_46 = arith.constant 0.000000e+00 : f32
    %max3A_47 = vector.broadcast %max3A_46 : f32 to vector<4096x64xf32>
    %max3A_48 = arith.maximumf %add3A_45, %max3A_47 : vector<4096x64xf32>
    %reshape3A_49 = vector.shape_cast %max3A_48 : vector<4096x64xf32> to vector<128x32x64xf32>
    %reduce_max3A = arith.constant dense<0xFF800000> : vector<128x64xf32>
    %reduce_max3A_50 = vector.multi_reduction <maximumf>, %reshape3A_49, %reduce_max3A [1] : vector<128x32x64xf32> to vector<128x64xf32>
    %swap3A = arith.constant 0 : index
    %swap3A_51 = arith.constant 0 : index
    %swap3A_52 = vector.load %arg9[%swap3A, %swap3A_51] : memref<128x64xf32, #tpu.memory_space<vmem>>, vector<128x64xf32>
    tpu.vector_store %arg9[%swap3A, %swap3A_51], %reduce_max3A_50 {strides = array<i32>} : memref<128x64xf32, #tpu.memory_space<vmem>>, vector<128x64xf32>,
    return
  }
  func.func @transform_0(%arg0: i32) -> (i32, i32) {
    %c0_i32 = arith.constant 0 : i32
    %c0_i32_0 = arith.constant 0 : i32
    return %arg0, %c0_i32 : i32, i32
  }
  func.func @transform_1(%arg0: i32) -> (i32, i32) {
    %c0_i32 = arith.constant 0 : i32
    %c0_i32_0 = arith.constant 0 : i32
    return %arg0, %c0_i32 : i32, i32
  }
  func.func @transform_2(%arg0: i32) -> (i32, i32) {
    %c0_i32 = arith.constant 0 : i32
    %c0_i32_0 = arith.constant 0 : i32
    %c0_i32_1 = arith.constant 0 : i32
    return %c0_i32, %c0_i32_0 : i32, i32
  }
  func.func @transform_3(%arg0: i32) -> (i32, i32) {
    %c0_i32 = arith.constant 0 : i32
    %c0_i32_0 = arith.constant 0 : i32
    %c0_i32_1 = arith.constant 0 : i32
    return %c0_i32, %c0_i32_0 : i32, i32
  }
  func.func @transform_4(%arg0: i32) -> (i32, i32) {
    %c0_i32 = arith.constant 0 : i32
    %c0_i32_0 = arith.constant 0 : i32
    %c0_i32_1 = arith.constant 0 : i32
    return %c0_i32, %c0_i32_0 : i32, i32
  }
  func.func @transform_5(%arg0: i32) -> (i32, i32) {
    %c0_i32 = arith.constant 0 : i32
    %c0_i32_0 = arith.constant 0 : i32
    %c0_i32_1 = arith.constant 0 : i32
    return %c0_i32, %c0_i32_0 : i32, i32
  }
  func.func @transform_6(%arg0: i32) -> (i32, i32) {
    %c0_i32 = arith.constant 0 : i32
    %c0_i32_0 = arith.constant 0 : i32
    %c0_i32_1 = arith.constant 0 : i32
    return %c0_i32, %c0_i32_0 : i32, i32
  }
  func.func @transform_7(%arg0: i32) -> (i32, i32) {
    %c0_i32 = arith.constant 0 : i32
    %c0_i32_0 = arith.constant 0 : i32
    %c0_i32_1 = arith.constant 0 : i32
    return %c0_i32, %c0_i32_0 : i32, i32
  }
  func.func @transform_8(%arg0: i32) -> (i32, i32) {
    %c0_i32 = arith.constant 0 : i32
    %c0_i32_0 = arith.constant 0 : i32
    return %arg0, %c0_i32 : i32, i32
  }
}

</mosaic_0001>

<sc_bundles>
// kernel: kernel.11.cloned.1.call-start
scs
__scs_entry_jumppad:
0x0: {  	(pc) =	sbr.rel $0x88, $3  }
0x1: {  	(tag) =	ssettag $0x0;
	lr =	simm.s32 $0x1  }
0x2: {  	[smem:$0x3F92] =	sst lr;
	_ =	strace $0xD0000000  }
0x3: {  	_ = 	snop  }
0x4: {  	_ = 	snop  }
0x5: {  	_ = 	snop  }
0x6: {  	_ = 	snop  }
0x7: {  	_ = 	snop  }
__scs_overlays_trampoline_lowered:
0x8: {  	[smem:$0x3FA1] =	sst s0  }
0x9: {  	[smem:$0x3FA2] =	sst s1  }
0xa: {  	[smem:$0x3FA3] =	sst s2  }
0xb: {  	[smem:$0x3FA4] =	sst s3  }
0xc: {  	[smem:$0x3FA5] =	sst s4  }
0xd: {  	[smem:$0x3FA6] =	sst s5  }
0xe: {  	[smem:$0x3FA7] =	sst s6  }
0xf: {  	[smem:$0x3FA8] =	sst s7  }
0x10: {  	[smem:$0x3FA9] =	sst s8  }
0x11: {  	[smem:$0x3FAA] =	sst s9;
	s0 =	simm.s32 @!p0 $0x0  }
0x12: {  	s1 =	sld [smem:$0x3F90];
	s0 =	simm.s32 @p0 $0x1  }
0x13: {  	[smem:$0x3FAB] =	sst s0;
	s0 =	simm.s32 @!p1 $0x0  }
0x14: {  	s2 =	sld [smem:$0x3F8F];
	s0 =	simm.s32 @p1 $0x1  }
0x15: {  	[smem:$0x3FAC] =	sst s0;
	s0 =	simm.s32 @!p2 $0x0  }
0x16: {  	s3 =	sld [smem:$0x3FDB];
	s0 =	simm.s32 @p2 $0x1  }
0x17: {  	s4 =	simm.s32 $0x1BF5;
	[smem:$0x3FAE] =	sst s0  }
0x18: {  	s0 =	sld [smem:$0x3F91];
	_ =	swait.ge [sflag:s4], $0x0  }
0x19: {  	s7 =	sld [smem:$0x3F92]  }
0x1a: {  	s8 =	sadd.s32 $0xFFFFE003, lr  }
0x1b: {  	s9 =	sadd.s32 $0xFFFFFEF7, lr;
	s5 =	simm.s32 $0xFFFFFFFF;
	p2 =	slt.u32 s8, $0xFFFFF086  }
0x1c: {  	p1 =	slt.u32 s9, $0xF7A;
	s5 =	simm.s32 @!p2 $0x0  }
0x1d: {  	s5 =	simm.s32 @p1 $0x1;
	p0 =	seq.s32 s7, s2  }
0x1e: {  	s7 =	smul.u32 @!p0 $0xF7A, s2;
	p2 =	seq.s32 @!p0 s5, $0x0  }
0x1f: {  	s9 =	smul.u32 $0xF7A, s1;
	s8 =	simm.s32 @!p0 $0x1BF5;
	p2 =	por !p2, p0  }
0x20: {  	[sflag:s8] =	ssyncset.s32 @!p0 $0xFFFFF086;
	s6 =	sadd.s32 @!p0 s3, s7;
	s7 =	simm.s32 @!p0 $0x108  }
0x21: {  	s3 =	sadd.s32 s3, s9;
	s6 =	sadd.s32 @!p0 $0x88, s6;
	s7 =	simm.s32 @p2 $0x1082  }
0x22: {  	[simem:s7], [sflag:s8] =	dma.local @!p0 [hbm:s6], $0xF7A  }
0x23: {  	s9 =	sor.u32 $0xD0000000, s2;
	s6 =	simm.s32 $0x108;
	_ =	swait.ge @!p0 [sflag:s8], $0x0  }
0x24: {  	s3 =	sadd.s32 $0x88, s3;
	s6 =	simm.s32 @!p1 $0x1082;
	[sflag:s4] =	ssyncset.s32 $0xFFFFF086  }
0x25: {  	[simem:s6], [sflag:s4] =	dma.local [hbm:s3], $0xF7A  }
0x26: {  	[smem:$0x3F92] =	sst s1;
	(tag) =	ssettag s2;
	_ =	strace s9  }
0x27: {  	s1 =	sld [smem:$0x3FA2]  }
0x28: {  	s2 =	sld [smem:$0x3FA3]  }
0x29: {  	s4 =	sld [smem:$0x3FA5]  }
0x2a: {  	p0 =	seq.s32 s5, $0x0;
	s5 =	sld [smem:$0x3FA6]  }
0x2b: {  	s6 =	sld [smem:$0x3FA7]  }
0x2c: {  	s7 =	sld [smem:$0x3FA8]  }
0x2d: {  	s3 =	simm.s32 $0x108;
	s8 =	sld [smem:$0x3FA9]  }
0x2e: {  	s3 =	simm.s32 @!p0 $0x1082;
	s9 =	sld [smem:$0x3FAA]  }
0x2f: {  	lr =	sadd.s32 s0, s3;
	s0 =	sld [smem:$0x3FA1]  }
0x30: {  	s3 =	sld [smem:$0x3FA4]  }
0x31: {  	[smem:$0x3FAD] =	sst s10  }
0x32: {  	s10 =	sld [smem:$0x3FAB];
	_ =	sdelay $0x3  }
0x33: {  	p0 =	seq.s32 s10, $0x1;
	s10 =	sld [smem:$0x3FAD];
	_ =	sdelay $0x3  }
0x34: {  	[smem:$0x3FAD] =	sst s10  }
0x35: {  	s10 =	sld [smem:$0x3FAC];
	_ =	sdelay $0x3  }
0x36: {  	p1 =	seq.s32 s10, $0x1;
	s10 =	sld [smem:$0x3FAD];
	_ =	sdelay $0x3  }
0x37: {  	[smem:$0x3FAD] =	sst s10  }
0x38: {  	s10 =	sld [smem:$0x3FAE]  }
0x39: {  	_ = 	snop;
	(pc) =	sbr.ind lr, $3  }
0x3a: {  	_ = 	snop  }
0x3b: {  	_ = 	snop  }
0x3c: {  	p2 =	seq.s32 s10, $0x1;
	s10 =	sld [smem:$0x3FAD]  }
0x3d: {  	_ =	shalt  }
0x3e: {  	_ =	shalt  }
0x3f: {  	_ =	shalt  }
0x40: {  	_ =	shalt  }
0x41: {  	_ =	shalt  }
0x42: {  	_ =	shalt  }
0x43: {  	_ =	shalt  }
0x44: {  	_ =	shalt  }
0x45: {  	_ =	shalt  }
0x46: {  	_ =	shalt  }
0x47: {  	_ =	shalt  }
0x48: {  	_ =	shalt  }
0x49: {  	_ =	shalt  }
0x4a: {  	_ =	shalt  }
0x4b: {  	_ =	shalt  }
0x4c: {  	_ =	shalt  }
0x4d: {  	_ =	shalt  }
0x4e: {  	_ =	shalt  }
0x4f: {  	_ =	shalt  }
0x50: {  	_ =	shalt  }
0x51: {  	_ =	shalt  }
0x52: {  	_ =	shalt  }
0x53: {  	_ =	shalt  }
0x54: {  	_ =	shalt  }
0x55: {  	_ =	shalt  }
0x56: {  	_ =	shalt  }
0x57: {  	_ =	shalt  }
0x58: {  	_ =	shalt  }
0x59: {  	_ =	shalt  }
0x5a: {  	_ =	shalt  }
0x5b: {  	_ =	shalt  }
0x5c: {  	_ =	shalt  }
0x5d: {  	_ =	shalt  }
0x5e: {  	_ =	shalt  }
0x5f: {  	_ =	shalt  }
0x60: {  	_ =	shalt  }
0x61: {  	_ =	shalt  }
0x62: {  	_ =	shalt  }
0x63: {  	_ =	shalt  }
0x64: {  	_ =	shalt  }
0x65: {  	_ =	shalt  }
0x66: {  	_ =	shalt  }
0x67: {  	_ =	shalt  }
0x68: {  	_ =	shalt  }
0x69: {  	_ =	shalt  }
0x6a: {  	_ =	shalt  }
0x6b: {  	_ =	shalt  }
0x6c: {  	_ =	shalt  }
0x6d: {  	_ =	shalt  }
0x6e: {  	_ =	shalt  }
0x6f: {  	_ =	shalt  }
0x70: {  	_ =	shalt  }
0x71: {  	_ =	shalt  }
0x72: {  	_ =	shalt  }
0x73: {  	_ =	shalt  }
0x74: {  	_ =	shalt  }
0x75: {  	_ =	shalt  }
0x76: {  	_ =	shalt  }
0x77: {  	_ =	shalt  }
0x78: {  	_ =	shalt  }
0x79: {  	_ =	shalt  }
0x7a: {  	_ =	shalt  }
0x7b: {  	_ =	shalt  }
0x7c: {  	_ =	shalt  }
0x7d: {  	_ =	shalt  }
0x7e: {  	_ =	shalt  }
0x7f: {  	_ =	shalt  }
0x80: {  	_ =	shalt  }
0x81: {  	_ =	shalt  }
0x82: {  	_ =	shalt  }
0x83: {  	_ =	shalt  }
0x84: {  	_ =	shalt  }
0x85: {  	_ =	shalt  }
0x86: {  	_ =	shalt  }
0x87: {  	_ =	shalt  }
.Lfunc_end0:
.L_simem_size_0:
called_computation_lowered:
.L_overlay_start_0:
0x88: {  	s2 =	sld [smem:$0x3FD9]  }
0x89: {  	s3 =	sld [smem:$0x3FFE];
	_ =	sdelay $0x1  }
0x8a: {  	s1 =	srdreg.scid  }
0x8b: {  	s0 =	sand.u32 $0x1, s1  }
0x8c: {  	s17 =	sshll.u32 s0, $0xA;
	s2 =	sadd.s32 s3, s2  }
0x8d: {  	s2 =	sadd.s32 s2, s17  }
0x8e: {  	[smem:$0x3FB9] =	sst s2  }
0x8f: {  	_ = 	snop  }
0x90: {  	s2 =	sld [smem:$0x3FD0];
	(tm) =	ssettm $0x1  }
0x91: {  	s18 =	sld [smem:$0x3FFB];
	_ =	sdelay $0x3  }
0x92: {  	_ =	strace s18  }
0x93: {  	s3 =	sld [smem:$0x3FFC];
	_ =	sdelay $0x3  }
0x94: {  	_ =	strace s3  }
0x95: {  	s3 =	sld [smem:$0x3FFD];
	_ =	sdelay $0x3  }
0x96: {  	_ =	strace s3  }
0x97: {  	_ =	strace $0x8FFFFFFF  }
0x98: {  	s19 =	sld [smem:$0x3FDB];
	_ =	sdelay $0x1  }
0x99: {  	s4 =	simm.s32 $_scs_section_size  }
0x9a: {  	s5 =	simm.s32 $_size__tile_overlayer_lowered;
	s6 =	simm.s32 $_tile_overlayer_lowered  }
0x9b: {  	s22 =	simm.s32 $0x1BFF;
	s21 =	sshll.u32 s6, $0x1;
	s3 =	sadd.s32 s4, s19  }
0x9c: {  	s7 =	simm.s32 $0x0;
	s20 =	sshll.u32 s5, $0x1;
	s5 =	sadd.s32 s21, s3  }
0x9d: {  	[timem:s7], [sflag:s22] =	dma.local [hbm:s5], s20  }
0x9e: {  	_ =	swait.ge [sflag:s22], s20  }
0x9f: {  	s4 =	ssub.s32 $0x0, s20;
	[sflag:s22] =	ssyncset.done $0x0  }
0xa0: {  	[sflag:s22] =	ssyncadd.s32 s4;
	_ =	sdelay $0x1  }
0xa1: {  	s23 =	simm.s32 $0x1B8B  }
0xa2: {  	_ =	swait.ge [sflag:s23], $0x1  }
0xa3: {  	[sflag:s23] =	ssyncset.done $0x0  }
0xa4: {  	s25 =	simm.s32 $0x1B8E;
	s24 =	sld [smem:$0x3FFE];
	[sflag:s23] =	ssyncadd.s32 $0xFFFFFFFF  }
0xa5: {  	s26 =	simm.s32 $execute0_lowered;
	[smem:$0x3FD2] =	sst s25  }
0xa6: {  	s5 =	sshll.u32 s26, $0x1;
	_ =	strace $0x80000046;
	[dreg:$0x1] =	wrdreg $0xFFFFFFFF  }
0xa7: {  	s28 =	simm.s32 $_size_execute0_lowered;
	s3 =	sadd.s32 s3, s5;
	[dreg:$0x0] =	wrdreg $0x0  }
0xa8: {  	s5 =	sshll.u32 s28, $0x1;
	[dreg:$0x2] =	wrdreg s3  }
0xa9: {  	[dreg:$0x3] =	wrdreg s5  }
0xaa: {  	[dreg:$0x4] =	wrdreg $0xC0  }
0xab: {  	_ =	task [dreg:s7], $0x5FFFF  }
0xac: {  	[dreg:$0x1] =	wrdreg $0xFFFFFFFF  }
0xad: {  	[dreg:$0x0] =	wrdreg $0x60  }
0xae: {  	[dreg:$0x2] =	wrdreg s24  }
0xaf: {  	[dreg:$0x3] =	wrdreg s2  }
0xb0: {  	[dreg:$0x4] =	wrdreg $0x9  }
0xb1: {  	_ =	task.clear_ibuf [dreg:s7], $0x5FFFF;
	_ =	strace $0x90000046  }
0xb2: {  	s29 =	simm.s32 $0x9;
	_ =	strace $0x80000048  }
0xb3: {  	_ =	swait.ge [sflag:s29], $0x1  }
0xb4: {  	[sflag:s29] =	ssyncadd.s32 $0xFFFFFFFF  }
0xb5: {  	_ =	strace $0x90000048  }
0xb6: {  	_ =	sfence  }
0xb7: {  	s30 =	sld [smem:$0x0];
	_ =	sdelay $0x2  }
0xb8: {  	s31 =	sshll.u32 s1, $0xD;
	s1 =	sshrl.u32 s1, $0x2  }
0xb9: {  	s3 =	sand.u32 $0x4000, s31;
	s1 =	sadd.s32 s1, s30  }
0xba: {  	s0 =	sor.u32 s3, s0;
	s1 =	sshll.u32 s1, $0x11  }
0xbb: {  	s0 =	sor.u32 s1, s0  }
0xbc: {  	s0 =	sadd.s32 $0x8F2B, s0  }
0xbd: {  	[sflag:s0] =	ssyncadd.remote.s32 $0x1  }
0xbe: {  	_ =	sfence.sel $0xFFFF  }
0xbf: {  	[dreg:$0x0] =	wrdreg $0xFFFFFFFF;
	(pc) =	sbr.abs _section_cstart, $3  }
0xc0: {  	[dreg:$0x1] =	wrdreg $0xFFFFFFFF  }
0xc1: {  	_ =	task.clear_ibuf [dreg:s7], $0x2FFFF;
	_ =	strace $0x9FFFFFFF  }
0xc2: {  	(tm) =	ssettm $0x7FFFFFFF  }
0xc3: {  	_ =	shalt  }
tec
execute0_lowered:
.L_overlay_start_1:
0x0: {  	(tag) =	ssettag $0x1  }
0x1: {  	s4 =	rddreg [dreg:$0x0]  }
0x2: {  	s5 =	rddreg [dreg:$0x1];
	s1 =	stileid.u32  }
0x3: {  	s2 =	srdreg.scid;
	s0 =	rddreg [dreg:$0x2];
	s10 =	simm.s32 $0x5C00  }
0x4: {  	s11 =	simm.s32 $0x9C00;
	s12 =	simm.s32 $0x1;
	s13 =	simm.s32 $0x0  }
0x5: {  	s3 =	sand.u32 $0x1, s2;
	s6 =	sshll.u32 s1, $0x1;
	s2 =	simm.s32 $0x0  }
0x6: {  	s7 =	smul.u32 $0x36000, s1;
	s6 =	sor.u32 s3, s6;
	[smem:$0x7FF] =	sst s2  }
0x7: {  	s8 =	ssub.s32 $0x2, s3;
	s9 =	smul.u32 $0x1B000, s3;
	s3 =	sadd.s32 $0x3600, s4  }
0x8: {  	s6 =	smul.u32 $0x380, s6;
	s7 =	sadd.s32 s7, s4;
	s30 =	sshrl.u32 s8, $0x1  }
0x9: {  	_ =	strace $0x80000047;
	s8 =	ssub.s32 s8, s30;
	s31 =	sadd.s32 s9, s7  }
0xa: {  	s7 =	simm.s32 $0x2;
	s9 =	simm.s32 $0x1C00;
	s4 =	sadd.s32 s5, s6  }
0xb: {  	s5 =	smax.u32 s8, $0x1;
	s6 =	sadd.s32 $0x13600, s31;
	s8 =	simm.s32 $0x80  }
.LBB2_1:
0xc: {  	[tilespmem:s2], [sflag:$0x2] =	stream.linear.gather [hbm4b:s4+s2], $0x1B00, $0x38;
	[tilespmem:$0xDC00] =	vst v63  }
0xd: {  	_ =	swait.ge [sflag:s7], $0x1B00  }
0xe: {  	[sflag:s7] =	ssyncset.done $0x0  }
0xf: {  	s14 =	simm.s32 $0x0;
	[sflag:s7] =	ssyncadd.s32 $0xFFFFE500  }
0x10: {  	[tilespmem:s9], [sflag:$0x1] =	stream.indirect.gather [hbm4b:s3+s8], $0x80, s14, s8, $0xb8;
	[tilespmem:$0xDC00] =	vst v63  }
0x11: {  	s29 =	simm.s32 $0x80  }
0x12: {  	[tilespmem:s10], [sflag:$0x1] =	stream.indirect.gather [hbm4b:s3+s8], $0x80, s29, s8, $0xb8;
	[tilespmem:$0xDC00] =	vst v63  }
0x13: {  	s30 =	simm.s32 $0x100  }
0x14: {  	[tilespmem:s11], [sflag:$0x1] =	stream.indirect.gather [hbm4b:s3+s8], $0x80, s30, s8, $0xb8;
	[tilespmem:$0xDC00] =	vst v63  }
0x15: {  	_ =	swait.ge [sflag:s12], $0x4000  }
0x16: {  	[sflag:s12] =	ssyncset.done $0x0  }
0x17: {  	[sflag:s12] =	ssyncadd.s32 $0xFFFFC000  }
0x18: {  	_ =	swait.ge [sflag:s12], $0x4000  }
0x19: {  	[sflag:s12] =	ssyncset.done $0x0  }
0x1a: {  	[sflag:s12] =	ssyncadd.s32 $0xFFFFC000  }
0x1b: {  	_ =	swait.ge [sflag:s12], $0x4000  }
0x1c: {  	[sflag:s12] =	ssyncset.done $0x0  }
0x1d: {  	s31 =	sadd.s32 $0x0, s6;
	[sflag:s12] =	ssyncadd.s32 $0xFFFFC000  }
0x1e: {  	[hbm4b:s31+s2] =	stream.linear.scatter [tilespmem:s9], [sflag:$0x2], $0xC000, $0x38;
	[tilespmem:$0xDC00] =	vst v63  }
0x1f: {  	s16 =	simm.s32 $0x3000;
	_ =	swait.ge [sflag:s7], $0xC000  }
0x20: {  	s15 =	simm.s32 $0x280;
	s14 =	simm.s32 $0x1800;
	[sflag:s7] =	ssyncset.done $0x0  }
.LBB2_2:
0x21: {  	p0 =	sne.s32 s16, $0x19800;
	s17 =	sadd.s32 $0xFFFFFF00, s15;
	[sflag:s7] =	ssyncadd.s32 $0xFFFF4000  }
0x22: {  	[tilespmem:s9], [sflag:$0x1] =	stream.indirect.gather [hbm4b:s3+s8], $0x80, s17, s8, $0xb8;
	[tilespmem:$0xDC00] =	vst v63  }
0x23: {  	s18 =	smov.u32 s16;
	s16 =	sadd.s32 $0x1800, s16;
	s17 =	sadd.s32 $0xFFFFFF80, s15  }
0x24: {  	[tilespmem:s10], [sflag:$0x1] =	stream.indirect.gather [hbm4b:s3+s8], $0x80, s17, s8, $0xb8;
	[tilespmem:$0xDC00] =	vst v63  }
0x25: {  	_ = 	snop  }
0x26: {  	[tilespmem:s11], [sflag:$0x1] =	stream.indirect.gather [hbm4b:s3+s8], $0x80, s15, s8, $0xb8;
	[tilespmem:$0xDC00] =	vst v63  }
0x27: {  	_ =	swait.ge [sflag:s12], $0x4000  }
0x28: {  	[sflag:s12] =	ssyncset.done $0x0  }
0x29: {  	[sflag:s12] =	ssyncadd.s32 $0xFFFFC000  }
0x2a: {  	_ =	swait.ge [sflag:s12], $0x4000  }
0x2b: {  	[sflag:s12] =	ssyncset.done $0x0  }
0x2c: {  	[sflag:s12] =	ssyncadd.s32 $0xFFFFC000  }
0x2d: {  	_ =	swait.ge [sflag:s12], $0x4000  }
.Ltmp0:
0x2e: {  	[sflag:s12] =	ssyncset.done $0x0;
	(pc) =	sbr.rel @p0 .LBB2_2-.Ltmp0, $4  }
0x2f: {  	s17 =	sadd.s32 s14, s6;
	s14 =	smov.u32 s18;
	[sflag:s12] =	ssyncadd.s32 $0xFFFFC000  }
0x30: {  	[hbm4b:s17+s2] =	stream.linear.scatter [tilespmem:s9], [sflag:$0x2], $0xC000, $0x38;
	[tilespmem:$0xDC00] =	vst v63  }
0x31: {  	_ =	swait.ge [sflag:s7], $0xC000  }
0x32: {  	s15 =	sadd.s32 $0x180, s15;
	[sflag:s7] =	ssyncset.done $0x0  }
0x33: {  	s16 =	sadd.s32 $0xFFFFFF00, s15;
	[sflag:s7] =	ssyncadd.s32 $0xFFFF4000  }
0x34: {  	[tilespmem:s9], [sflag:$0x1] =	stream.indirect.gather [hbm4b:s3+s8], $0x80, s16, s8, $0xb8;
	[tilespmem:$0xDC00] =	vst v63  }
0x35: {  	s31 =	sadd.s32 $0xFFFFFF80, s15  }
0x36: {  	[tilespmem:s10], [sflag:$0x1] =	stream.indirect.gather [hbm4b:s3+s8], $0x80, s31, s8, $0xb8;
	[tilespmem:$0xDC00] =	vst v63  }
0x37: {  	_ = 	snop  }
0x38: {  	[tilespmem:s11], [sflag:$0x1] =	stream.indirect.gather [hbm4b:s3+s8], $0x80, s15, s8, $0xb8;
	[tilespmem:$0xDC00] =	vst v63  }
0x39: {  	_ =	swait.ge [sflag:s12], $0x4000  }
0x3a: {  	[sflag:s12] =	ssyncset.done $0x0  }
0x3b: {  	[sflag:s12] =	ssyncadd.s32 $0xFFFFC000  }
0x3c: {  	_ =	swait.ge [sflag:s12], $0x4000  }
0x3d: {  	[sflag:s12] =	ssyncset.done $0x0  }
0x3e: {  	[sflag:s12] =	ssyncadd.s32 $0xFFFFC000  }
0x3f: {  	s13 =	sadd.s32 $0x1, s13;
	_ =	swait.ge [sflag:s12], $0x4000  }
0x40: {  	p0 =	sne.s32 s13, s5;
	[sflag:s12] =	ssyncset.done $0x0  }
.Ltmp1:
0x41: {  	s14 =	sadd.s32 s14, s6;
	[sflag:s12] =	ssyncadd.s32 $0xFFFFC000;
	(pc) =	sbr.rel @p0 .LBB2_1-.Ltmp1, $4  }
0x42: {  	[hbm4b:s14+s2] =	stream.linear.scatter [tilespmem:s9], [sflag:$0x2], $0xC000, $0x38;
	[tilespmem:$0xDC00] =	vst v63  }
0x43: {  	_ =	swait.ge [sflag:s7], $0xC000  }
0x44: {  	[sflag:s7] =	ssyncset.done $0x0  }
0x45: {  	[sflag:s7] =	ssyncadd.s32 $0xFFFF4000  }
0x46: {  	_ =	sfence.sel $0x180000  }
0x47: {  	[bflag:$0x0] =	sbarrier.arrive $0xFFFF  }
0x48: {  	p0 =	sne.s32 s1, $0x0;
	_ =	strace $0x90000047  }
0x49: {  	s0 =	sadd.s32 @!p0 $0x100000, s0;
	[bflag:$0x2] =	sbarrier.arrive $0xFFFF  }
0x4a: {  	[sflag:s0] =	ssyncadd.tile.s32 @!p0 $0x1;
	_ =	shalt  }
.Lfunc_end2:
_tile_overlayer_lowered:
.L_overlay_start_2:
0x4b: {  	(tag) =	ssettag $0x2  }
0x4c: {  	s0 =	rddreg [dreg:$0x0];
	s2 =	stileid.u32  }
0x4d: {  	s1 =	rddreg [dreg:$0x1];
	p0 =	sne.s32 s2, $0x0  }
0x4e: {  	s3 =	rddreg [dreg:$0x2];
	[bflag:$0x3] =	sbarrier.arrive $0xFFFF;
	s2 =	simm.s32 @!p0 $0x1C02  }
0x4f: {  	[timem:s3], [sflag:s2] =	dma.local @!p0 [hbm:s0], s1  }
0x50: {  	s0 =	simm.s32 @!p0 $0x2  }
0x51: {  	_ =	swait.ge @!p0 [sflag:s0], s1  }
0x52: {  	s1 =	ssub.s32 @!p0 $0x0, s1;
	[sflag:s0] =	ssyncset.done @!p0 $0x0  }
0x53: {  	[sflag:s0] =	ssyncadd.s32 @!p0 s1  }
0x54: {  	[bflag:$0x3] =	sbarrier.arrive $0xFFFF  }
0x55: {  	_ =	shalt  }

// kernel: kernel.14.cloned.1.call-start
scs
__scs_entry_jumppad:
0x0: {  	(pc) =	sbr.rel $0x88, $3  }
0x1: {  	(tag) =	ssettag $0x0;
	lr =	simm.s32 $0x1  }
0x2: {  	[smem:$0x3F92] =	sst lr;
	_ =	strace $0xD0000000  }
0x3: {  	_ = 	snop  }
0x4: {  	_ = 	snop  }
0x5: {  	_ = 	snop  }
0x6: {  	_ = 	snop  }
0x7: {  	_ = 	snop  }
__scs_overlays_trampoline_lowered:
0x8: {  	[smem:$0x3FA1] =	sst s0  }
0x9: {  	[smem:$0x3FA2] =	sst s1  }
0xa: {  	[smem:$0x3FA3] =	sst s2  }
0xb: {  	[smem:$0x3FA4] =	sst s3  }
0xc: {  	[smem:$0x3FA5] =	sst s4  }
0xd: {  	[smem:$0x3FA6] =	sst s5  }
0xe: {  	[smem:$0x3FA7] =	sst s6  }
0xf: {  	[smem:$0x3FA8] =	sst s7  }
0x10: {  	[smem:$0x3FA9] =	sst s8  }
0x11: {  	[smem:$0x3FAA] =	sst s9;
	s0 =	simm.s32 @!p0 $0x0  }
0x12: {  	s1 =	sld [smem:$0x3F90];
	s0 =	simm.s32 @p0 $0x1  }
0x13: {  	[smem:$0x3FAB] =	sst s0;
	s0 =	simm.s32 @!p1 $0x0  }
0x14: {  	s2 =	sld [smem:$0x3F8F];
	s0 =	simm.s32 @p1 $0x1  }
0x15: {  	[smem:$0x3FAC] =	sst s0;
	s0 =	simm.s32 @!p2 $0x0  }
0x16: {  	s3 =	sld [smem:$0x3FDB];
	s0 =	simm.s32 @p2 $0x1  }
0x17: {  	s4 =	simm.s32 $0x1BF5;
	[smem:$0x3FAE] =	sst s0  }
0x18: {  	s0 =	sld [smem:$0x3F91];
	_ =	swait.ge [sflag:s4], $0x0  }
0x19: {  	s7 =	sld [smem:$0x3F92]  }
0x1a: {  	s8 =	sadd.s32 $0xFFFFE003, lr  }
0x1b: {  	s9 =	sadd.s32 $0xFFFFFEF7, lr;
	s5 =	simm.s32 $0xFFFFFFFF;
	p2 =	slt.u32 s8, $0xFFFFF086  }
0x1c: {  	p1 =	slt.u32 s9, $0xF7A;
	s5 =	simm.s32 @!p2 $0x0  }
0x1d: {  	s5 =	simm.s32 @p1 $0x1;
	p0 =	seq.s32 s7, s2  }
0x1e: {  	s7 =	smul.u32 @!p0 $0xF7A, s2;
	p2 =	seq.s32 @!p0 s5, $0x0  }
0x1f: {  	s9 =	smul.u32 $0xF7A, s1;
	s8 =	simm.s32 @!p0 $0x1BF5;
	p2 =	por !p2, p0  }
0x20: {  	[sflag:s8] =	ssyncset.s32 @!p0 $0xFFFFF086;
	s6 =	sadd.s32 @!p0 s3, s7;
	s7 =	simm.s32 @!p0 $0x108  }
0x21: {  	s3 =	sadd.s32 s3, s9;
	s6 =	sadd.s32 @!p0 $0x88, s6;
	s7 =	simm.s32 @p2 $0x1082  }
0x22: {  	[simem:s7], [sflag:s8] =	dma.local @!p0 [hbm:s6], $0xF7A  }
0x23: {  	s9 =	sor.u32 $0xD0000000, s2;
	s6 =	simm.s32 $0x108;
	_ =	swait.ge @!p0 [sflag:s8], $0x0  }
0x24: {  	s3 =	sadd.s32 $0x88, s3;
	s6 =	simm.s32 @!p1 $0x1082;
	[sflag:s4] =	ssyncset.s32 $0xFFFFF086  }
0x25: {  	[simem:s6], [sflag:s4] =	dma.local [hbm:s3], $0xF7A  }
0x26: {  	[smem:$0x3F92] =	sst s1;
	(tag) =	ssettag s2;
	_ =	strace s9  }
0x27: {  	s1 =	sld [smem:$0x3FA2]  }
0x28: {  	s2 =	sld [smem:$0x3FA3]  }
0x29: {  	s4 =	sld [smem:$0x3FA5]  }
0x2a: {  	p0 =	seq.s32 s5, $0x0;
	s5 =	sld [smem:$0x3FA6]  }
0x2b: {  	s6 =	sld [smem:$0x3FA7]  }
0x2c: {  	s7 =	sld [smem:$0x3FA8]  }
0x2d: {  	s3 =	simm.s32 $0x108;
	s8 =	sld [smem:$0x3FA9]  }
0x2e: {  	s3 =	simm.s32 @!p0 $0x1082;
	s9 =	sld [smem:$0x3FAA]  }
0x2f: {  	lr =	sadd.s32 s0, s3;
	s0 =	sld [smem:$0x3FA1]  }
0x30: {  	s3 =	sld [smem:$0x3FA4]  }
0x31: {  	[smem:$0x3FAD] =	sst s10  }
0x32: {  	s10 =	sld [smem:$0x3FAB];
	_ =	sdelay $0x3  }
0x33: {  	p0 =	seq.s32 s10, $0x1;
	s10 =	sld [smem:$0x3FAD];
	_ =	sdelay $0x3  }
0x34: {  	[smem:$0x3FAD] =	sst s10  }
0x35: {  	s10 =	sld [smem:$0x3FAC];
	_ =	sdelay $0x3  }
0x36: {  	p1 =	seq.s32 s10, $0x1;
	s10 =	sld [smem:$0x3FAD];
	_ =	sdelay $0x3  }
0x37: {  	[smem:$0x3FAD] =	sst s10  }
0x38: {  	s10 =	sld [smem:$0x3FAE]  }
0x39: {  	_ = 	snop;
	(pc) =	sbr.ind lr, $3  }
0x3a: {  	_ = 	snop  }
0x3b: {  	_ = 	snop  }
0x3c: {  	p2 =	seq.s32 s10, $0x1;
	s10 =	sld [smem:$0x3FAD]  }
0x3d: {  	_ =	shalt  }
0x3e: {  	_ =	shalt  }
0x3f: {  	_ =	shalt  }
0x40: {  	_ =	shalt  }
0x41: {  	_ =	shalt  }
0x42: {  	_ =	shalt  }
0x43: {  	_ =	shalt  }
0x44: {  	_ =	shalt  }
0x45: {  	_ =	shalt  }
0x46: {  	_ =	shalt  }
0x47: {  	_ =	shalt  }
0x48: {  	_ =	shalt  }
0x49: {  	_ =	shalt  }
0x4a: {  	_ =	shalt  }
0x4b: {  	_ =	shalt  }
0x4c: {  	_ =	shalt  }
0x4d: {  	_ =	shalt  }
0x4e: {  	_ =	shalt  }
0x4f: {  	_ =	shalt  }
0x50: {  	_ =	shalt  }
0x51: {  	_ =	shalt  }
0x52: {  	_ =	shalt  }
0x53: {  	_ =	shalt  }
0x54: {  	_ =	shalt  }
0x55: {  	_ =	shalt  }
0x56: {  	_ =	shalt  }
0x57: {  	_ =	shalt  }
0x58: {  	_ =	shalt  }
0x59: {  	_ =	shalt  }
0x5a: {  	_ =	shalt  }
0x5b: {  	_ =	shalt  }
0x5c: {  	_ =	shalt  }
0x5d: {  	_ =	shalt  }
0x5e: {  	_ =	shalt  }
0x5f: {  	_ =	shalt  }
0x60: {  	_ =	shalt  }
0x61: {  	_ =	shalt  }
0x62: {  	_ =	shalt  }
0x63: {  	_ =	shalt  }
0x64: {  	_ =	shalt  }
0x65: {  	_ =	shalt  }
0x66: {  	_ =	shalt  }
0x67: {  	_ =	shalt  }
0x68: {  	_ =	shalt  }
0x69: {  	_ =	shalt  }
0x6a: {  	_ =	shalt  }
0x6b: {  	_ =	shalt  }
0x6c: {  	_ =	shalt  }
0x6d: {  	_ =	shalt  }
0x6e: {  	_ =	shalt  }
0x6f: {  	_ =	shalt  }
0x70: {  	_ =	shalt  }
0x71: {  	_ =	shalt  }
0x72: {  	_ =	shalt  }
0x73: {  	_ =	shalt  }
0x74: {  	_ =	shalt  }
0x75: {  	_ =	shalt  }
0x76: {  	_ =	shalt  }
0x77: {  	_ =	shalt  }
0x78: {  	_ =	shalt  }
0x79: {  	_ =	shalt  }
0x7a: {  	_ =	shalt  }
0x7b: {  	_ =	shalt  }
0x7c: {  	_ =	shalt  }
0x7d: {  	_ =	shalt  }
0x7e: {  	_ =	shalt  }
0x7f: {  	_ =	shalt  }
0x80: {  	_ =	shalt  }
0x81: {  	_ =	shalt  }
0x82: {  	_ =	shalt  }
0x83: {  	_ =	shalt  }
0x84: {  	_ =	shalt  }
0x85: {  	_ =	shalt  }
0x86: {  	_ =	shalt  }
0x87: {  	_ =	shalt  }
.Lfunc_end0:
.L_simem_size_0:
called_computation.1_lowered:
.L_overlay_start_0:
0x88: {  	s2 =	sld [smem:$0x3FD9]  }
0x89: {  	s3 =	sld [smem:$0x3FFE];
	_ =	sdelay $0x1  }
0x8a: {  	s1 =	srdreg.scid  }
0x8b: {  	s0 =	sand.u32 $0x1, s1  }
0x8c: {  	s16 =	sshll.u32 s0, $0xA;
	s2 =	sadd.s32 s3, s2  }
0x8d: {  	s2 =	sadd.s32 s2, s16  }
0x8e: {  	[smem:$0x3FB9] =	sst s2  }
0x8f: {  	_ = 	snop  }
0x90: {  	(tm) =	ssettm $0x1  }
0x91: {  	s17 =	sld [smem:$0x3FFB];
	_ =	sdelay $0x3  }
0x92: {  	_ =	strace s17  }
0x93: {  	s2 =	sld [smem:$0x3FFC];
	_ =	sdelay $0x3  }
0x94: {  	_ =	strace s2  }
0x95: {  	s2 =	sld [smem:$0x3FFD];
	_ =	sdelay $0x3  }
0x96: {  	_ =	strace s2  }
0x97: {  	_ =	strace $0x8FFFFFFF  }
0x98: {  	s18 =	sld [smem:$0x3FDB];
	_ =	sdelay $0x1  }
0x99: {  	s19 =	simm.s32 $_scs_section_size  }
0x9a: {  	s4 =	simm.s32 $_size__tile_overlayer_lowered;
	s5 =	simm.s32 $_tile_overlayer_lowered  }
0x9b: {  	s22 =	simm.s32 $0x1BFF;
	s21 =	sshll.u32 s5, $0x1;
	s2 =	sadd.s32 s19, s18  }
0x9c: {  	s6 =	simm.s32 $0x0;
	s20 =	sshll.u32 s4, $0x1;
	s4 =	sadd.s32 s21, s2  }
0x9d: {  	[timem:s6], [sflag:s22] =	dma.local [hbm:s4], s20  }
0x9e: {  	_ =	swait.ge [sflag:s22], s20  }
0x9f: {  	s3 =	ssub.s32 $0x0, s20;
	[sflag:s22] =	ssyncset.done $0x0  }
0xa0: {  	[sflag:s22] =	ssyncadd.s32 s3;
	_ =	sdelay $0x1  }
0xa1: {  	s23 =	simm.s32 $0x1B8B  }
0xa2: {  	_ =	swait.ge [sflag:s23], $0x1  }
0xa3: {  	[sflag:s23] =	ssyncset.done $0x0  }
0xa4: {  	s25 =	simm.s32 $0x1B8E;
	s24 =	sld [smem:$0x3FFE];
	[sflag:s23] =	ssyncadd.s32 $0xFFFFFFFF  }
0xa5: {  	s26 =	simm.s32 $execute0_lowered;
	[smem:$0x3FD2] =	sst s25  }
0xa6: {  	s4 =	sshll.u32 s26, $0x1;
	_ =	strace $0x80000049;
	[dreg:$0x1] =	wrdreg $0xFFFFFFFF  }
0xa7: {  	s28 =	simm.s32 $_size_execute0_lowered;
	s2 =	sadd.s32 s2, s4;
	[dreg:$0x0] =	wrdreg $0x0  }
0xa8: {  	s4 =	sshll.u32 s28, $0x1;
	[dreg:$0x2] =	wrdreg s2  }
0xa9: {  	[dreg:$0x3] =	wrdreg s4  }
0xaa: {  	[dreg:$0x4] =	wrdreg $0xC0  }
0xab: {  	_ =	task [dreg:s6], $0x5FFFF  }
0xac: {  	[dreg:$0x1] =	wrdreg $0xFFFFFFFF  }
0xad: {  	[dreg:$0x0] =	wrdreg $0x60  }
0xae: {  	[dreg:$0x2] =	wrdreg s24  }
0xaf: {  	[dreg:$0x3] =	wrdreg $0x9  }
0xb0: {  	_ =	task.clear_ibuf [dreg:s6], $0x4FFFF;
	_ =	strace $0x90000049  }
0xb1: {  	s29 =	simm.s32 $0x9;
	_ =	strace $0x8000004B  }
0xb2: {  	_ =	swait.ge [sflag:s29], $0x1  }
0xb3: {  	[sflag:s29] =	ssyncadd.s32 $0xFFFFFFFF  }
0xb4: {  	_ =	strace $0x9000004B  }
0xb5: {  	_ =	sfence  }
0xb6: {  	s30 =	sld [smem:$0x0];
	_ =	sdelay $0x2  }
0xb7: {  	s31 =	sshll.u32 s1, $0xD;
	s1 =	sshrl.u32 s1, $0x2  }
0xb8: {  	s3 =	sand.u32 $0x4000, s31;
	s1 =	sadd.s32 s1, s30  }
0xb9: {  	s0 =	sor.u32 s3, s0;
	s1 =	sshll.u32 s1, $0x11  }
0xba: {  	s0 =	sor.u32 s1, s0  }
0xbb: {  	s0 =	sadd.s32 $0x8F2B, s0  }
0xbc: {  	[sflag:s0] =	ssyncadd.remote.s32 $0x1  }
0xbd: {  	_ =	sfence.sel $0xFFFF  }
0xbe: {  	[dreg:$0x0] =	wrdreg $0xFFFFFFFF;
	(pc) =	sbr.abs _section_cstart, $3  }
0xbf: {  	[dreg:$0x1] =	wrdreg $0xFFFFFFFF  }
0xc0: {  	_ =	task.clear_ibuf [dreg:s6], $0x2FFFF;
	_ =	strace $0x9FFFFFFF  }
0xc1: {  	(tm) =	ssettm $0x7FFFFFFF  }
tec
execute0_lowered:
.L_overlay_start_1:
0x0: {  	(tag) =	ssettag $0x1  }
0x1: {  	s1 =	srdreg.scid  }
0x2: {  	s0 =	stileid.u32;
	s4 =	rddreg [dreg:$0x0]  }
0x3: {  	s2 =	simm.s32 $0x0;
	s9 =	simm.s32 $0x3800;
	s10 =	simm.s32 $0x7800  }
0x4: {  	s11 =	simm.s32 $0xB800;
	s12 =	simm.s32 $0x1;
	s13 =	simm.s32 $0x0  }
0x5: {  	s5 =	sand.u32 $0x1, s1;
	s3 =	sshll.u32 s0, $0x1;
	s1 =	rddreg [dreg:$0x1]  }
0x6: {  	[smem:$0x7FF] =	sst s2;
	s7 =	smul.u32 $0x6C000, s0;
	s3 =	sor.u32 s5, s3  }
0x7: {  	_ =	strace $0x8000004A;
	s8 =	ssub.s32 $0x2, s5;
	s5 =	smul.u32 $0x36000, s5  }
0x8: {  	s6 =	smul.u32 $0x700, s3;
	s7 =	sadd.s32 s7, s4;
	s30 =	sshrl.u32 s8, $0x1  }
0x9: {  	s3 =	sadd.s32 $0x3600, s4;
	s8 =	ssub.s32 s8, s30;
	s31 =	sadd.s32 s5, s7  }
0xa: {  	s7 =	simm.s32 $0x2;
	s6 =	sadd.s32 s6, s4;
	s5 =	smax.u32 s8, $0x1  }
0xb: {  	s8 =	simm.s32 $0x80;
	s4 =	sadd.s32 $0x373600, s6;
	s6 =	sadd.s32 $0x381600, s31  }
.LBB2_1:
0xc: {  	[tilespmem:s2], [sflag:$0x2] =	stream.linear.gather [hbm4b:s4+s2], $0x3600, $0x38;
	[tilespmem:$0xF800] =	vst v63  }
0xd: {  	_ =	swait.ge [sflag:s7], $0x3600  }
0xe: {  	[sflag:s7] =	ssyncset.done $0x0  }
0xf: {  	s14 =	simm.s32 $0x0;
	[sflag:s7] =	ssyncadd.s32 $0xFFFFCA00  }
0x10: {  	[tilespmem:s9], [sflag:$0x1] =	stream.indirect.gather [hbm4b:s3+s8], $0x80, s14, s8, $0xb8;
	[tilespmem:$0xF800] =	vst v63  }
0x11: {  	s29 =	simm.s32 $0x80  }
0x12: {  	[tilespmem:s10], [sflag:$0x1] =	stream.indirect.gather [hbm4b:s3+s8], $0x80, s29, s8, $0xb8;
	[tilespmem:$0xF800] =	vst v63  }
0x13: {  	s30 =	simm.s32 $0x100  }
0x14: {  	[tilespmem:s11], [sflag:$0x1] =	stream.indirect.gather [hbm4b:s3+s8], $0x80, s30, s8, $0xb8;
	[tilespmem:$0xF800] =	vst v63  }
0x15: {  	_ =	swait.ge [sflag:s12], $0x4000  }
0x16: {  	[sflag:s12] =	ssyncset.done $0x0  }
0x17: {  	[sflag:s12] =	ssyncadd.s32 $0xFFFFC000  }
0x18: {  	_ =	swait.ge [sflag:s12], $0x4000  }
0x19: {  	[sflag:s12] =	ssyncset.done $0x0  }
0x1a: {  	[sflag:s12] =	ssyncadd.s32 $0xFFFFC000  }
0x1b: {  	_ =	swait.ge [sflag:s12], $0x4000  }
0x1c: {  	[sflag:s12] =	ssyncset.done $0x0  }
0x1d: {  	s31 =	sadd.s32 $0x0, s6;
	[sflag:s12] =	ssyncadd.s32 $0xFFFFC000  }
0x1e: {  	[hbm4b:s31+s2] =	stream.linear.scatter [tilespmem:s9], [sflag:$0x2], $0xC000, $0x38;
	[tilespmem:$0xF800] =	vst v63  }
0x1f: {  	s16 =	simm.s32 $0x3000;
	_ =	swait.ge [sflag:s7], $0xC000  }
0x20: {  	s15 =	simm.s32 $0x280;
	s14 =	simm.s32 $0x1800;
	[sflag:s7] =	ssyncset.done $0x0  }
.LBB2_2:
0x21: {  	p0 =	sne.s32 s16, $0x34800;
	s17 =	sadd.s32 $0xFFFFFF00, s15;
	[sflag:s7] =	ssyncadd.s32 $0xFFFF4000  }
0x22: {  	[tilespmem:s9], [sflag:$0x1] =	stream.indirect.gather [hbm4b:s3+s8], $0x80, s17, s8, $0xb8;
	[tilespmem:$0xF800] =	vst v63  }
0x23: {  	s18 =	smov.u32 s16;
	s16 =	sadd.s32 $0x1800, s16;
	s17 =	sadd.s32 $0xFFFFFF80, s15  }
0x24: {  	[tilespmem:s10], [sflag:$0x1] =	stream.indirect.gather [hbm4b:s3+s8], $0x80, s17, s8, $0xb8;
	[tilespmem:$0xF800] =	vst v63  }
0x25: {  	_ = 	snop  }
0x26: {  	[tilespmem:s11], [sflag:$0x1] =	stream.indirect.gather [hbm4b:s3+s8], $0x80, s15, s8, $0xb8;
	[tilespmem:$0xF800] =	vst v63  }
0x27: {  	_ =	swait.ge [sflag:s12], $0x4000  }
0x28: {  	[sflag:s12] =	ssyncset.done $0x0  }
0x29: {  	[sflag:s12] =	ssyncadd.s32 $0xFFFFC000  }
0x2a: {  	_ =	swait.ge [sflag:s12], $0x4000  }
0x2b: {  	[sflag:s12] =	ssyncset.done $0x0  }
0x2c: {  	[sflag:s12] =	ssyncadd.s32 $0xFFFFC000  }
0x2d: {  	_ =	swait.ge [sflag:s12], $0x4000  }
.Ltmp0:
0x2e: {  	[sflag:s12] =	ssyncset.done $0x0;
	(pc) =	sbr.rel @p0 .LBB2_2-.Ltmp0, $4  }
0x2f: {  	s17 =	sadd.s32 s14, s6;
	s14 =	smov.u32 s18;
	[sflag:s12] =	ssyncadd.s32 $0xFFFFC000  }
0x30: {  	[hbm4b:s17+s2] =	stream.linear.scatter [tilespmem:s9], [sflag:$0x2], $0xC000, $0x38;
	[tilespmem:$0xF800] =	vst v63  }
0x31: {  	_ =	swait.ge [sflag:s7], $0xC000  }
0x32: {  	s15 =	sadd.s32 $0x180, s15;
	[sflag:s7] =	ssyncset.done $0x0  }
0x33: {  	s16 =	sadd.s32 $0xFFFFFF00, s15;
	[sflag:s7] =	ssyncadd.s32 $0xFFFF4000  }
0x34: {  	[tilespmem:s9], [sflag:$0x1] =	stream.indirect.gather [hbm4b:s3+s8], $0x80, s16, s8, $0xb8;
	[tilespmem:$0xF800] =	vst v63  }
0x35: {  	s31 =	sadd.s32 $0xFFFFFF80, s15  }
0x36: {  	[tilespmem:s10], [sflag:$0x1] =	stream.indirect.gather [hbm4b:s3+s8], $0x80, s31, s8, $0xb8;
	[tilespmem:$0xF800] =	vst v63  }
0x37: {  	_ = 	snop  }
0x38: {  	[tilespmem:s11], [sflag:$0x1] =	stream.indirect.gather [hbm4b:s3+s8], $0x80, s15, s8, $0xb8;
	[tilespmem:$0xF800] =	vst v63  }
0x39: {  	_ =	swait.ge [sflag:s12], $0x4000  }
0x3a: {  	[sflag:s12] =	ssyncset.done $0x0  }
0x3b: {  	[sflag:s12] =	ssyncadd.s32 $0xFFFFC000  }
0x3c: {  	_ =	swait.ge [sflag:s12], $0x4000  }
0x3d: {  	[sflag:s12] =	ssyncset.done $0x0  }
0x3e: {  	[sflag:s12] =	ssyncadd.s32 $0xFFFFC000  }
0x3f: {  	s13 =	sadd.s32 $0x1, s13;
	_ =	swait.ge [sflag:s12], $0x4000  }
0x40: {  	p0 =	sne.s32 s13, s5;
	[sflag:s12] =	ssyncset.done $0x0  }
.Ltmp1:
0x41: {  	s14 =	sadd.s32 s14, s6;
	[sflag:s12] =	ssyncadd.s32 $0xFFFFC000;
	(pc) =	sbr.rel @p0 .LBB2_1-.Ltmp1, $4  }
0x42: {  	[hbm4b:s14+s2] =	stream.linear.scatter [tilespmem:s9], [sflag:$0x2], $0xC000, $0x38;
	[tilespmem:$0xF800] =	vst v63  }
0x43: {  	_ =	swait.ge [sflag:s7], $0xC000  }
0x44: {  	[sflag:s7] =	ssyncset.done $0x0  }
0x45: {  	[sflag:s7] =	ssyncadd.s32 $0xFFFF4000  }
0x46: {  	_ =	sfence.sel $0x180000  }
0x47: {  	[bflag:$0x0] =	sbarrier.arrive $0xFFFF  }
0x48: {  	p0 =	sne.s32 s0, $0x0;
	_ =	strace $0x9000004A  }
0x49: {  	s0 =	sadd.s32 @!p0 $0x100000, s1;
	[bflag:$0x2] =	sbarrier.arrive $0xFFFF  }
0x4a: {  	[sflag:s0] =	ssyncadd.tile.s32 @!p0 $0x1;
	_ =	shalt  }
.Lfunc_end2:
_tile_overlayer_lowered:
.L_overlay_start_2:
0x4b: {  	(tag) =	ssettag $0x2  }
0x4c: {  	s0 =	rddreg [dreg:$0x0];
	s2 =	stileid.u32  }
0x4d: {  	s1 =	rddreg [dreg:$0x1];
	p0 =	sne.s32 s2, $0x0  }
0x4e: {  	s3 =	rddreg [dreg:$0x2];
	[bflag:$0x3] =	sbarrier.arrive $0xFFFF;
	s2 =	simm.s32 @!p0 $0x1C02  }
0x4f: {  	[timem:s3], [sflag:s2] =	dma.local @!p0 [hbm:s0], s1  }
0x50: {  	s0 =	simm.s32 @!p0 $0x2  }
0x51: {  	_ =	swait.ge @!p0 [sflag:s0], s1  }
0x52: {  	s1 =	ssub.s32 @!p0 $0x0, s1;
	[sflag:s0] =	ssyncset.done @!p0 $0x0  }
0x53: {  	[sflag:s0] =	ssyncadd.s32 @!p0 s1  }
0x54: {  	[bflag:$0x3] =	sbarrier.arrive $0xFFFF  }
0x55: {  	_ =	shalt  }

</sc_bundles>
